<compile_context>
chip_gen: v7x
topology: tpu7x:2x2x1
jax: 0.10.2.dev20260603
libtpu: 0.0.44.dev20260713+nightly
codegen_flags: <defaults>
</compile_context>

<pallas_src>
import functools

import jax
import jax.numpy as jnp
from jax import lax
from jax.experimental import pallas as pl
from jax.experimental.pallas import tpu as pltpu
from jax.experimental.pallas import tpu_sc as plsc

B = 16
C = 256
HW = 1024
E = 1024
N = B * HW
COMMIT = 0.25

NC = 2
NS = 16
NW = NC * NS
LANES = 16



def _tc1_body(x_ref, emb_ref, xsq_ref, esq_ref, loss_ref, idx_ref, xT_scr):
    b = pl.program_id(0)
    xt = x_ref[...]
    emb = emb_ref[...]

    xT_scr[...] = xt.T
    xT = xT_scr[...]
    s = jnp.dot(emb, xT, preferred_element_type=jnp.float32)
    d = (xsq_ref[...] + esq_ref[...]) - 2.0 * s

    m = jnp.min(d, axis=0)
    eidx = lax.broadcasted_iota(jnp.int32, (E, HW), 0)
    idx = jnp.min(jnp.where(d == m[None, :], eidx, jnp.int32(1 << 30)),
                  axis=0)
    idx_ref[0, 0] = idx

    @pl.when(b == 0)
    def _init():
        loss_ref[0, 0] = jnp.sum(m)

    @pl.when(b > 0)
    def _acc():
        loss_ref[0, 0] = loss_ref[0, 0] + jnp.sum(m)

    @pl.when(b == B - 1)
    def _fin():
        loss_ref[0, 0] = loss_ref[0, 0] * (COMMIT / (N * C))


_tc1 = pl.pallas_call(
    _tc1_body,
    grid=(B,),
    in_specs=[
        pl.BlockSpec((HW, C), lambda b: (b, 0)),
        pl.BlockSpec((E, C), lambda b: (0, 0)),
        pl.BlockSpec((1, HW), lambda b: (0, b)),
        pl.BlockSpec((E, 1), lambda b: (0, 0)),
    ],
    out_specs=[
        pl.BlockSpec((1, 1), lambda b: (0, 0), memory_space=pltpu.SMEM),
        pl.BlockSpec((1, 1, HW), lambda b: (b, 0, 0)),
    ],
    out_shape=[
        jax.ShapeDtypeStruct((1, 1), jnp.float32),
        jax.ShapeDtypeStruct((B, 1, HW), jnp.int32),
    ],
    scratch_shapes=[pltpu.VMEM((C, HW), jnp.float32)],
    compiler_params=pltpu.CompilerParams(
        dimension_semantics=("arbitrary",),
    ),
)



def _tc2_body(idx_ref, enc_ref, perp_ref, counts):
    b = pl.program_id(0)
    idx = idx_ref[0, 0]
    code_iota = lax.broadcasted_iota(jnp.int32, (HW, E), 1)
    oh = (code_iota == idx[:, None]).astype(jnp.float32)
    enc_ref[...] = oh
    cnt = jnp.sum(oh, axis=0)

    @pl.when(b == 0)
    def _init():
        counts[...] = cnt

    @pl.when(b > 0)
    def _acc():
        counts[...] = counts[...] + cnt

    @pl.when(b == B - 1)
    def _fin():
        p = counts[...] * (1.0 / N)
        ent = -jnp.sum(p * jnp.log(p + 1e-10))
        perp_ref[0, 0] = jnp.exp(ent)


_tc2 = pl.pallas_call(
    _tc2_body,
    grid=(B,),
    in_specs=[pl.BlockSpec((1, 1, HW), lambda b: (b, 0, 0))],
    out_specs=[
        pl.BlockSpec((HW, E), lambda b: (b, 0)),
        pl.BlockSpec((1, 1), lambda b: (0, 0), memory_space=pltpu.SMEM),
    ],
    out_shape=[
        jax.ShapeDtypeStruct((N, E), jnp.float32),
        jax.ShapeDtypeStruct((1, 1), jnp.float32),
    ],
    scratch_shapes=[pltpu.VMEM((E,), jnp.float32)],
    compiler_params=pltpu.CompilerParams(
        dimension_semantics=("arbitrary",),
    ),
)



TPW = N // NW
CH_T = 64
NCH = TPW // CH_T
CH_P = CH_T * 2
NB = 4


def _sc_gather_body(emb_hbm, idx_hbm, out_hbm, idxv, ib2,
                    qb0, qb1, qb2, qb3,
                    g0, g1, g2, g3, w0, w1, w2, w3):
    qb = (qb0, qb1, qb2, qb3)
    gsem = (g0, g1, g2, g3)
    wsem = (w0, w1, w2, w3)
    cid = lax.axis_index("c")
    sid = lax.axis_index("s")
    w = sid * NC + cid
    t0 = w * TPW
    lane = lax.iota(jnp.int32, LANES)
    pat = lane & 7
    jofs = (lane >> 3) << 3

    pltpu.sync_copy(idx_hbm.at[pl.ds(t0, TPW)], idxv)
    for k in range(NCH):
        for g in range(CH_T // 8):
            toks = plsc.load_gather(idxv, [pat + (k * CH_T + g * 8)])
            src = ((toks >> 3) << 4) + (toks & 7) + jofs
            ib2[k, pl.ds(g * LANES, LANES)] = src

    def _wait_write(u):
        pltpu.make_async_copy(
            qb[u], out_hbm.at[pl.ds(0, CH_P)], wsem[u]).wait()

    LOOKAHEAD = 3
    for k in range(NCH + LOOKAHEAD):
        if k < NCH:
            u = k % NB
            if k >= NB:
                _wait_write(u)
            pltpu.async_copy(emb_hbm.at[ib2.at[k]], qb[u], gsem[u])
        if k >= LOOKAHEAD:
            kk = k - LOOKAHEAD
            v = kk % NB
            pltpu.make_async_copy(
                emb_hbm.at[ib2.at[kk]], qb[v], gsem[v]).wait()
            pltpu.async_copy(
                qb[v], out_hbm.at[pl.ds((t0 + kk * CH_T) * 2, CH_P)],
                wsem[v])
    for u in range(NCH - NB, NCH):
        _wait_write(u % NB)


@functools.cache
def _sc_gather():
    return pl.kernel(
        _sc_gather_body,
        out_type=jax.ShapeDtypeStruct((2 * N, 128), jnp.float32),
        mesh=plsc.VectorSubcoreMesh(core_axis_name="c", subcore_axis_name="s",
                                    num_cores=NC, num_subcores=NS),
        scratch_types=[
            pltpu.VMEM((TPW,), jnp.int32),
            pltpu.VMEM((NCH, CH_P), jnp.int32),
            pltpu.VMEM((CH_P, 128), jnp.float32),
            pltpu.VMEM((CH_P, 128), jnp.float32),
            pltpu.VMEM((CH_P, 128), jnp.float32),
            pltpu.VMEM((CH_P, 128), jnp.float32),
            pltpu.SemaphoreType.DMA,
            pltpu.SemaphoreType.DMA,
            pltpu.SemaphoreType.DMA,
            pltpu.SemaphoreType.DMA,
            pltpu.SemaphoreType.DMA,
            pltpu.SemaphoreType.DMA,
            pltpu.SemaphoreType.DMA,
            pltpu.SemaphoreType.DMA,
        ],
        compiler_params=pltpu.CompilerParams(needs_layout_passes=False),
    )


def kernel(inputs, embedding):
    x2 = jnp.transpose(inputs, (0, 2, 3, 1)).reshape(N, C)
    xsq = jnp.sum(x2 ** 2, axis=1)
    esq = jnp.sum(embedding ** 2, axis=1)
    loss, idxo = _tc1(x2, embedding, xsq.reshape(1, N), esq.reshape(E, 1))
    enc, perp = _tc2(idxo)
    emb_t = (embedding.reshape(E // 8, 8, 2, 128)
             .transpose(0, 2, 1, 3).reshape(2 * E, 128))
    q = _sc_gather()(emb_t, idxo.reshape(N))
    q4 = (q.reshape(N // 8, 2, 8, 128).transpose(0, 2, 1, 3)
          .reshape(B, 32, 32, C).transpose(0, 3, 1, 2))
    return (loss.reshape(()), q4, perp.reshape(()), enc,
            idxo.reshape(B, 32, 32))

# --- scband reference (transcript-rebuilt; emitter-appended) ---
"""Pipeline reference for scband-vector-quantizer-ema-65000035058428 (READ-ONLY COPY).

The authoritative reference and input builder live on the scoring server;
editing this copy changes nothing except your own understanding.
"""

import jax, jax.numpy as jnp
import numpy as np

NUM_EMBEDDINGS = 1024
EMBEDDING_DIM = 256
COMMITMENT_COST = 0.25

def setup_inputs(seed: int = 0) -> dict:
    key = jax.random.key(seed)
    k1, k2 = jax.random.split(key)
    inputs = jax.random.normal(k1, (16, 256, 32, 32), dtype=jnp.float32)
    embedding = jax.random.normal(k2, (NUM_EMBEDDINGS, EMBEDDING_DIM), dtype=jnp.float32)
    return {"inputs": inputs, "embedding": embedding}

def reference(inputs, embedding):
    # permute NCHW -> NHWC
    x = jnp.transpose(inputs, (0, 2, 3, 1))
    input_shape = x.shape
    flat_input = x.reshape(-1, EMBEDDING_DIM)
    # squared L2 distances to all codebook entries
    distances = (jnp.sum(flat_input ** 2, axis=1, keepdims=True)
                 + jnp.sum(embedding ** 2, axis=1)
                 - 2.0 * jnp.matmul(flat_input, embedding.T))
    encoding_indices = jnp.argmin(distances, axis=1)
    encodings = jax.nn.one_hot(encoding_indices, NUM_EMBEDDINGS, dtype=jnp.float32)
    quantized = jnp.matmul(encodings, embedding).reshape(input_shape)
    # eval mode: EMA buffer updates skipped (self.training == False)
    e_latent_loss = jnp.mean((jax.lax.stop_gradient(quantized) - x) ** 2)
    loss = COMMITMENT_COST * e_latent_loss
    quantized_st = x + jax.lax.stop_gradient(quantized - x)
    avg_probs = jnp.mean(encodings, axis=0)
    perplexity = jnp.exp(-jnp.sum(avg_probs * jnp.log(avg_probs + 1e-10)))
    quantized_out = jnp.transpose(quantized_st, (0, 3, 1, 2))
    return (loss, quantized_out, perplexity, encodings, encoding_indices.reshape(input_shape[0:3]))

if __name__ == "__main__":
    import jax
    _d = setup_inputs()
    print(jax.jit(kernel)(*tuple(_d.values())))

</pallas_src>

<mosaic_0001>
#map = affine_map<(d0, d1) -> (0, 0)>
#map1 = affine_map<(d0, d1) -> (0)>
module attributes {stable_mosaic.version = 14 : i64} {
  func.func @_sc_gather_body(%arg0: i32, %arg1: i32, %arg2: memref<2048x128xf32, #tpu.memory_space<hbm>>, %arg3: memref<16384xi32, #tpu.memory_space<hbm>>, %arg4: memref<32768x128xf32, #tpu.memory_space<hbm>>, %arg5: memref<512xi32, #tpu.memory_space<vmem>>, %arg6: memref<8x128xi32, #tpu.memory_space<vmem>>, %arg7: memref<128x128xf32, #tpu.memory_space<vmem>>, %arg8: memref<128x128xf32, #tpu.memory_space<vmem>>, %arg9: memref<128x128xf32, #tpu.memory_space<vmem>>, %arg10: memref<128x128xf32, #tpu.memory_space<vmem>>, %arg11: memref<!tpu.dma_semaphore, #tpu.memory_space<semaphore_mem>>, %arg12: memref<!tpu.dma_semaphore, #tpu.memory_space<semaphore_mem>>, %arg13: memref<!tpu.dma_semaphore, #tpu.memory_space<semaphore_mem>>, %arg14: memref<!tpu.dma_semaphore, #tpu.memory_space<semaphore_mem>>, %arg15: memref<!tpu.dma_semaphore, #tpu.memory_space<semaphore_mem>>, %arg16: memref<!tpu.dma_semaphore, #tpu.memory_space<semaphore_mem>>, %arg17: memref<!tpu.dma_semaphore, #tpu.memory_space<semaphore_mem>>, %arg18: memref<!tpu.dma_semaphore, #tpu.memory_space<semaphore_mem>>) attributes {dimension_semantics = [#tpu.dimension_semantics<core_parallel>, #tpu.dimension_semantics<subcore_parallel>], iteration_bounds = array<i64: 2, 16>, scalar_prefetch = 0 : i64, scratch_operands = 14 : i64, tpu.core_type = #tpu.core_type<sc_vector_subcore>, window_params = [{transform_indices = #map}, {transform_indices = #map1}, {transform_indices = #map}]} {
    %mul3A = arith.constant 2 : i32
    %mul3A_0 = arith.muli %arg1, %mul3A : i32
    %add3A = arith.addi %mul3A_0, %arg0 : i32
    %mul3A_1 = arith.constant 512 : i32
    %mul3A_2 = arith.muli %add3A, %mul3A_1 : i32
    %iota3A = tpu.iota {dimensions = array<i32: 0>} : vector<16xi32>
    %and3A = arith.constant 7 : i32
    %and3A_3 = vector.broadcast %and3A : i32 to vector<16xi32>
    %and3A_4 = arith.andi %iota3A, %and3A_3 : vector<16xi32>
    %shift_right_arithmetic3A = arith.constant 3 : i32
    %shift_right_arithmetic3A_5 = vector.broadcast %shift_right_arithmetic3A : i32 to vector<16xi32>
    %shift_right_arithmetic3A_6 = arith.shrsi %iota3A, %shift_right_arithmetic3A_5 : vector<16xi32>
    %shift_left3A = arith.constant 3 : i32
    %shift_left3A_7 = vector.broadcast %shift_left3A : i32 to vector<16xi32>
    %shift_left3A_8 = arith.shli %shift_right_arithmetic3A_6, %shift_left3A_7 : vector<16xi32>
    "tpu.region"() ({
      %run_scoped3A = tpu.sem_alloc : memref<!tpu.dma_semaphore, #tpu.memory_space<semaphore_mem>>
      %dma_start3A_1445 = tpu.memref_slice %arg3[%mul3A_2] : memref<16384xi32, #tpu.memory_space<hbm>> -> memref<512xi32, #tpu.memory_space<hbm>>
      %dma_start3A_1446 = tpu.memref_slice %arg3[%mul3A_2] : memref<16384xi32, #tpu.memory_space<hbm>> -> memref<512xi32, #tpu.memory_space<hbm>>
      tpu.enqueue_dma source(%dma_start3A_1446 : memref<512xi32, #tpu.memory_space<hbm>>) target(%arg5 : memref<512xi32, #tpu.memory_space<vmem>>) target_semaphore(%run_scoped3A : memref<!tpu.dma_semaphore, #tpu.memory_space<semaphore_mem>>)
      %dma_wait3A_1447 = tpu.memref_slice %arg3[%mul3A_2] : memref<16384xi32, #tpu.memory_space<hbm>> -> memref<512xi32, #tpu.memory_space<hbm>>
      %dma_wait3A_1448 = tpu.memref_slice %arg3[%mul3A_2] : memref<16384xi32, #tpu.memory_space<hbm>> -> memref<512xi32, #tpu.memory_space<hbm>>
      tpu.wait_dma2 semaphore(%run_scoped3A : memref<!tpu.dma_semaphore, #tpu.memory_space<semaphore_mem>>) src(%dma_wait3A_1448 : memref<512xi32, #tpu.memory_space<hbm>>) dst(%arg5 : memref<512xi32, #tpu.memory_space<vmem>>)
      tpu.yield
    }) : () -> ()
    %add3A_9 = arith.constant 0 : i32
    %add3A_10 = vector.broadcast %add3A_9 : i32 to vector<16xi32>
    %add3A_11 = arith.addi %and3A_4, %add3A_10 : vector<16xi32>
    %gather3A = tpu.vector_load_idx %arg5[%add3A_11] : memref<512xi32, #tpu.memory_space<vmem>>[vector<16xi32>], vector<16xi32>,
    %shift_right_arithmetic3A_12 = arith.constant 3 : i32
    %shift_right_arithmetic3A_13 = vector.broadcast %shift_right_arithmetic3A_12 : i32 to vector<16xi32>
    %shift_right_arithmetic3A_14 = arith.shrsi %gather3A, %shift_right_arithmetic3A_13 : vector<16xi32>
    %shift_left3A_15 = arith.constant 4 : i32
    %shift_left3A_16 = vector.broadcast %shift_left3A_15 : i32 to vector<16xi32>
    %shift_left3A_17 = arith.shli %shift_right_arithmetic3A_14, %shift_left3A_16 : vector<16xi32>
    %and3A_18 = arith.constant 7 : i32
    %and3A_19 = vector.broadcast %and3A_18 : i32 to vector<16xi32>
    %and3A_20 = arith.andi %gather3A, %and3A_19 : vector<16xi32>
    %add3A_21 = arith.addi %shift_left3A_17, %and3A_20 : vector<16xi32>
    %add3A_22 = arith.addi %add3A_21, %shift_left3A_8 : vector<16xi32>
    %swap3A = arith.constant 0 : i32
    %swap3A_23 = arith.index_cast %swap3A : i32 to index
    %swap3A_24 = arith.constant 0 : index
    %swap3A_25 = tpu.vector_load %arg6[%swap3A_23, %swap3A_24] {strides = array<i32>} : memref<8x128xi32, #tpu.memory_space<vmem>>, vector<16xi32>,
    tpu.vector_store %arg6[%swap3A_23, %swap3A_24], %add3A_22 {strides = array<i32>} : memref<8x128xi32, #tpu.memory_space<vmem>>, vector<16xi32>,
    %add3A_26 = arith.constant 8 : i32
    %add3A_27 = vector.broadcast %add3A_26 : i32 to vector<16xi32>
    %add3A_28 = arith.addi %and3A_4, %add3A_27 : vector<16xi32>
    %gather3A_29 = tpu.vector_load_idx %arg5[%add3A_28] : memref<512xi32, #tpu.memory_space<vmem>>[vector<16xi32>], vector<16xi32>,
    %shift_right_arithmetic3A_30 = arith.constant 3 : i32
    %shift_right_arithmetic3A_31 = vector.broadcast %shift_right_arithmetic3A_30 : i32 to vector<16xi32>
    %shift_right_arithmetic3A_32 = arith.shrsi %gather3A_29, %shift_right_arithmetic3A_31 : vector<16xi32>
    %shift_left3A_33 = arith.constant 4 : i32
    %shift_left3A_34 = vector.broadcast %shift_left3A_33 : i32 to vector<16xi32>
    %shift_left3A_35 = arith.shli %shift_right_arithmetic3A_32, %shift_left3A_34 : vector<16xi32>
    %and3A_36 = arith.constant 7 : i32
    %and3A_37 = vector.broadcast %and3A_36 : i32 to vector<16xi32>
    %and3A_38 = arith.andi %gather3A_29, %and3A_37 : vector<16xi32>
    %add3A_39 = arith.addi %shift_left3A_35, %and3A_38 : vector<16xi32>
    %add3A_40 = arith.addi %add3A_39, %shift_left3A_8 : vector<16xi32>
    %swap3A_41 = arith.constant 0 : i32
    %swap3A_42 = arith.index_cast %swap3A_41 : i32 to index
    %swap3A_43 = arith.constant 16 : index
    %swap3A_44 = tpu.vector_load %arg6[%swap3A_42, %swap3A_43] {strides = array<i32>} : memref<8x128xi32, #tpu.memory_space<vmem>>, vector<16xi32>,
    tpu.vector_store %arg6[%swap3A_42, %swap3A_43], %add3A_40 {strides = array<i32>} : memref<8x128xi32, #tpu.memory_space<vmem>>, vector<16xi32>,
    %add3A_45 = arith.constant 16 : i32
    %add3A_46 = vector.broadcast %add3A_45 : i32 to vector<16xi32>
    %add3A_47 = arith.addi %and3A_4, %add3A_46 : vector<16xi32>
    %gather3A_48 = tpu.vector_load_idx %arg5[%add3A_47] : memref<512xi32, #tpu.memory_space<vmem>>[vector<16xi32>], vector<16xi32>,
    %shift_right_arithmetic3A_49 = arith.constant 3 : i32
    %shift_right_arithmetic3A_50 = vector.broadcast %shift_right_arithmetic3A_49 : i32 to vector<16xi32>
    %shift_right_arithmetic3A_51 = arith.shrsi %gather3A_48, %shift_right_arithmetic3A_50 : vector<16xi32>
    %shift_left3A_52 = arith.constant 4 : i32
    %shift_left3A_53 = vector.broadcast %shift_left3A_52 : i32 to vector<16xi32>
    %shift_left3A_54 = arith.shli %shift_right_arithmetic3A_51, %shift_left3A_53 : vector<16xi32>
    %and3A_55 = arith.constant 7 : i32
    %and3A_56 = vector.broadcast %and3A_55 : i32 to vector<16xi32>
    %and3A_57 = arith.andi %gather3A_48, %and3A_56 : vector<16xi32>
    %add3A_58 = arith.addi %shift_left3A_54, %and3A_57 : vector<16xi32>
    %add3A_59 = arith.addi %add3A_58, %shift_left3A_8 : vector<16xi32>
    %swap3A_60 = arith.constant 0 : i32
    %swap3A_61 = arith.index_cast %swap3A_60 : i32 to index
    %swap3A_62 = arith.constant 32 : index
    %swap3A_63 = tpu.vector_load %arg6[%swap3A_61, %swap3A_62] {strides = array<i32>} : memref<8x128xi32, #tpu.memory_space<vmem>>, vector<16xi32>,
    tpu.vector_store %arg6[%swap3A_61, %swap3A_62], %add3A_59 {strides = array<i32>} : memref<8x128xi32, #tpu.memory_space<vmem>>, vector<16xi32>,
    %add3A_64 = arith.constant 24 : i32
    %add3A_65 = vector.broadcast %add3A_64 : i32 to vector<16xi32>
    %add3A_66 = arith.addi %and3A_4, %add3A_65 : vector<16xi32>
    %gather3A_67 = tpu.vector_load_idx %arg5[%add3A_66] : memref<512xi32, #tpu.memory_space<vmem>>[vector<16xi32>], vector<16xi32>,
    %shift_right_arithmetic3A_68 = arith.constant 3 : i32
    %shift_right_arithmetic3A_69 = vector.broadcast %shift_right_arithmetic3A_68 : i32 to vector<16xi32>
    %shift_right_arithmetic3A_70 = arith.shrsi %gather3A_67, %shift_right_arithmetic3A_69 : vector<16xi32>
    %shift_left3A_71 = arith.constant 4 : i32
    %shift_left3A_72 = vector.broadcast %shift_left3A_71 : i32 to vector<16xi32>
    %shift_left3A_73 = arith.shli %shift_right_arithmetic3A_70, %shift_left3A_72 : vector<16xi32>
    %and3A_74 = arith.constant 7 : i32
    %and3A_75 = vector.broadcast %and3A_74 : i32 to vector<16xi32>
    %and3A_76 = arith.andi %gather3A_67, %and3A_75 : vector<16xi32>
    %add3A_77 = arith.addi %shift_left3A_73, %and3A_76 : vector<16xi32>
    %add3A_78 = arith.addi %add3A_77, %shift_left3A_8 : vector<16xi32>
    %swap3A_79 = arith.constant 0 : i32
    %swap3A_80 = arith.index_cast %swap3A_79 : i32 to index
    %swap3A_81 = arith.constant 48 : index
    %swap3A_82 = tpu.vector_load %arg6[%swap3A_80, %swap3A_81] {strides = array<i32>} : memref<8x128xi32, #tpu.memory_space<vmem>>, vector<16xi32>,
    tpu.vector_store %arg6[%swap3A_80, %swap3A_81], %add3A_78 {strides = array<i32>} : memref<8x128xi32, #tpu.memory_space<vmem>>, vector<16xi32>,
    %add3A_83 = arith.constant 32 : i32
    %add3A_84 = vector.broadcast %add3A_83 : i32 to vector<16xi32>
    %add3A_85 = arith.addi %and3A_4, %add3A_84 : vector<16xi32>
    %gather3A_86 = tpu.vector_load_idx %arg5[%add3A_85] : memref<512xi32, #tpu.memory_space<vmem>>[vector<16xi32>], vector<16xi32>,
    %shift_right_arithmetic3A_87 = arith.constant 3 : i32
    %shift_right_arithmetic3A_88 = vector.broadcast %shift_right_arithmetic3A_87 : i32 to vector<16xi32>
    %shift_right_arithmetic3A_89 = arith.shrsi %gather3A_86, %shift_right_arithmetic3A_88 : vector<16xi32>
    %shift_left3A_90 = arith.constant 4 : i32
    %shift_left3A_91 = vector.broadcast %shift_left3A_90 : i32 to vector<16xi32>
    %shift_left3A_92 = arith.shli %shift_right_arithmetic3A_89, %shift_left3A_91 : vector<16xi32>
    %and3A_93 = arith.constant 7 : i32
    %and3A_94 = vector.broadcast %and3A_93 : i32 to vector<16xi32>
    %and3A_95 = arith.andi %gather3A_86, %and3A_94 : vector<16xi32>
    %add3A_96 = arith.addi %shift_left3A_92, %and3A_95 : vector<16xi32>
    %add3A_97 = arith.addi %add3A_96, %shift_left3A_8 : vector<16xi32>
    %swap3A_98 = arith.constant 0 : i32
    %swap3A_99 = arith.index_cast %swap3A_98 : i32 to index
    %swap3A_100 = arith.constant 64 : index
    %swap3A_101 = tpu.vector_load %arg6[%swap3A_99, %swap3A_100] {strides = array<i32>} : memref<8x128xi32, #tpu.memory_space<vmem>>, vector<16xi32>,
    tpu.vector_store %arg6[%swap3A_99, %swap3A_100], %add3A_97 {strides = array<i32>} : memref<8x128xi32, #tpu.memory_space<vmem>>, vector<16xi32>,
    %add3A_102 = arith.constant 40 : i32
    %add3A_103 = vector.broadcast %add3A_102 : i32 to vector<16xi32>
    %add3A_104 = arith.addi %and3A_4, %add3A_103 : vector<16xi32>
    %gather3A_105 = tpu.vector_load_idx %arg5[%add3A_104] : memref<512xi32, #tpu.memory_space<vmem>>[vector<16xi32>], vector<16xi32>,
    %shift_right_arithmetic3A_106 = arith.constant 3 : i32
    %shift_right_arithmetic3A_107 = vector.broadcast %shift_right_arithmetic3A_106 : i32 to vector<16xi32>
    %shift_right_arithmetic3A_108 = arith.shrsi %gather3A_105, %shift_right_arithmetic3A_107 : vector<16xi32>
    %shift_left3A_109 = arith.constant 4 : i32
    %shift_left3A_110 = vector.broadcast %shift_left3A_109 : i32 to vector<16xi32>
    %shift_left3A_111 = arith.shli %shift_right_arithmetic3A_108, %shift_left3A_110 : vector<16xi32>
    %and3A_112 = arith.constant 7 : i32
    %and3A_113 = vector.broadcast %and3A_112 : i32 to vector<16xi32>
    %and3A_114 = arith.andi %gather3A_105, %and3A_113 : vector<16xi32>
    %add3A_115 = arith.addi %shift_left3A_111, %and3A_114 : vector<16xi32>
    %add3A_116 = arith.addi %add3A_115, %shift_left3A_8 : vector<16xi32>
    %swap3A_117 = arith.constant 0 : i32
    %swap3A_118 = arith.index_cast %swap3A_117 : i32 to index
    %swap3A_119 = arith.constant 80 : index
    %swap3A_120 = tpu.vector_load %arg6[%swap3A_118, %swap3A_119] {strides = array<i32>} : memref<8x128xi32, #tpu.memory_space<vmem>>, vector<16xi32>,
    tpu.vector_store %arg6[%swap3A_118, %swap3A_119], %add3A_116 {strides = array<i32>} : memref<8x128xi32, #tpu.memory_space<vmem>>, vector<16xi32>,
    %add3A_121 = arith.constant 48 : i32
    %add3A_122 = vector.broadcast %add3A_121 : i32 to vector<16xi32>
    %add3A_123 = arith.addi %and3A_4, %add3A_122 : vector<16xi32>
    %gather3A_124 = tpu.vector_load_idx %arg5[%add3A_123] : memref<512xi32, #tpu.memory_space<vmem>>[vector<16xi32>], vector<16xi32>,
    %shift_right_arithmetic3A_125 = arith.constant 3 : i32
    %shift_right_arithmetic3A_126 = vector.broadcast %shift_right_arithmetic3A_125 : i32 to vector<16xi32>
    %shift_right_arithmetic3A_127 = arith.shrsi %gather3A_124, %shift_right_arithmetic3A_126 : vector<16xi32>
    %shift_left3A_128 = arith.constant 4 : i32
    %shift_left3A_129 = vector.broadcast %shift_left3A_128 : i32 to vector<16xi32>
    %shift_left3A_130 = arith.shli %shift_right_arithmetic3A_127, %shift_left3A_129 : vector<16xi32>
    %and3A_131 = arith.constant 7 : i32
    %and3A_132 = vector.broadcast %and3A_131 : i32 to vector<16xi32>
    %and3A_133 = arith.andi %gather3A_124, %and3A_132 : vector<16xi32>
    %add3A_134 = arith.addi %shift_left3A_130, %and3A_133 : vector<16xi32>
    %add3A_135 = arith.addi %add3A_134, %shift_left3A_8 : vector<16xi32>
    %swap3A_136 = arith.constant 0 : i32
    %swap3A_137 = arith.index_cast %swap3A_136 : i32 to index
    %swap3A_138 = arith.constant 96 : index
    %swap3A_139 = tpu.vector_load %arg6[%swap3A_137, %swap3A_138] {strides = array<i32>} : memref<8x128xi32, #tpu.memory_space<vmem>>, vector<16xi32>,
    tpu.vector_store %arg6[%swap3A_137, %swap3A_138], %add3A_135 {strides = array<i32>} : memref<8x128xi32, #tpu.memory_space<vmem>>, vector<16xi32>,
    %add3A_140 = arith.constant 56 : i32
    %add3A_141 = vector.broadcast %add3A_140 : i32 to vector<16xi32>
    %add3A_142 = arith.addi %and3A_4, %add3A_141 : vector<16xi32>
    %gather3A_143 = tpu.vector_load_idx %arg5[%add3A_142] : memref<512xi32, #tpu.memory_space<vmem>>[vector<16xi32>], vector<16xi32>,
    %shift_right_arithmetic3A_144 = arith.constant 3 : i32
    %shift_right_arithmetic3A_145 = vector.broadcast %shift_right_arithmetic3A_144 : i32 to vector<16xi32>
    %shift_right_arithmetic3A_146 = arith.shrsi %gather3A_143, %shift_right_arithmetic3A_145 : vector<16xi32>
    %shift_left3A_147 = arith.constant 4 : i32
    %shift_left3A_148 = vector.broadcast %shift_left3A_147 : i32 to vector<16xi32>
    %shift_left3A_149 = arith.shli %shift_right_arithmetic3A_146, %shift_left3A_148 : vector<16xi32>
    %and3A_150 = arith.constant 7 : i32
    %and3A_151 = vector.broadcast %and3A_150 : i32 to vector<16xi32>
    %and3A_152 = arith.andi %gather3A_143, %and3A_151 : vector<16xi32>
    %add3A_153 = arith.addi %shift_left3A_149, %and3A_152 : vector<16xi32>
    %add3A_154 = arith.addi %add3A_153, %shift_left3A_8 : vector<16xi32>
    %swap3A_155 = arith.constant 0 : i32
    %swap3A_156 = arith.index_cast %swap3A_155 : i32 to index
    %swap3A_157 = arith.constant 112 : index
    %swap3A_158 = tpu.vector_load %arg6[%swap3A_156, %swap3A_157] {strides = array<i32>} : memref<8x128xi32, #tpu.memory_space<vmem>>, vector<16xi32>,
    tpu.vector_store %arg6[%swap3A_156, %swap3A_157], %add3A_154 {strides = array<i32>} : memref<8x128xi32, #tpu.memory_space<vmem>>, vector<16xi32>,
    %add3A_159 = arith.constant 64 : i32
    %add3A_160 = vector.broadcast %add3A_159 : i32 to vector<16xi32>
    %add3A_161 = arith.addi %and3A_4, %add3A_160 : vector<16xi32>
    %gather3A_162 = tpu.vector_load_idx %arg5[%add3A_161] : memref<512xi32, #tpu.memory_space<vmem>>[vector<16xi32>], vector<16xi32>,
    %shift_right_arithmetic3A_163 = arith.constant 3 : i32
    %shift_right_arithmetic3A_164 = vector.broadcast %shift_right_arithmetic3A_163 : i32 to vector<16xi32>
    %shift_right_arithmetic3A_165 = arith.shrsi %gather3A_162, %shift_right_arithmetic3A_164 : vector<16xi32>
    %shift_left3A_166 = arith.constant 4 : i32
    %shift_left3A_167 = vector.broadcast %shift_left3A_166 : i32 to vector<16xi32>
    %shift_left3A_168 = arith.shli %shift_right_arithmetic3A_165, %shift_left3A_167 : vector<16xi32>
    %and3A_169 = arith.constant 7 : i32
    %and3A_170 = vector.broadcast %and3A_169 : i32 to vector<16xi32>
    %and3A_171 = arith.andi %gather3A_162, %and3A_170 : vector<16xi32>
    %add3A_172 = arith.addi %shift_left3A_168, %and3A_171 : vector<16xi32>
    %add3A_173 = arith.addi %add3A_172, %shift_left3A_8 : vector<16xi32>
    %swap3A_174 = arith.constant 1 : i32
    %swap3A_175 = arith.index_cast %swap3A_174 : i32 to index
    %swap3A_176 = arith.constant 0 : index
    %swap3A_177 = tpu.vector_load %arg6[%swap3A_175, %swap3A_176] {strides = array<i32>} : memref<8x128xi32, #tpu.memory_space<vmem>>, vector<16xi32>,
    tpu.vector_store %arg6[%swap3A_175, %swap3A_176], %add3A_173 {strides = array<i32>} : memref<8x128xi32, #tpu.memory_space<vmem>>, vector<16xi32>,
    %add3A_178 = arith.constant 72 : i32
    %add3A_179 = vector.broadcast %add3A_178 : i32 to vector<16xi32>
    %add3A_180 = arith.addi %and3A_4, %add3A_179 : vector<16xi32>
    %gather3A_181 = tpu.vector_load_idx %arg5[%add3A_180] : memref<512xi32, #tpu.memory_space<vmem>>[vector<16xi32>], vector<16xi32>,
    %shift_right_arithmetic3A_182 = arith.constant 3 : i32
    %shift_right_arithmetic3A_183 = vector.broadcast %shift_right_arithmetic3A_182 : i32 to vector<16xi32>
    %shift_right_arithmetic3A_184 = arith.shrsi %gather3A_181, %shift_right_arithmetic3A_183 : vector<16xi32>
    %shift_left3A_185 = arith.constant 4 : i32
    %shift_left3A_186 = vector.broadcast %shift_left3A_185 : i32 to vector<16xi32>
    %shift_left3A_187 = arith.shli %shift_right_arithmetic3A_184, %shift_left3A_186 : vector<16xi32>
    %and3A_188 = arith.constant 7 : i32
    %and3A_189 = vector.broadcast %and3A_188 : i32 to vector<16xi32>
    %and3A_190 = arith.andi %gather3A_181, %and3A_189 : vector<16xi32>
    %add3A_191 = arith.addi %shift_left3A_187, %and3A_190 : vector<16xi32>
    %add3A_192 = arith.addi %add3A_191, %shift_left3A_8 : vector<16xi32>
    %swap3A_193 = arith.constant 1 : i32
    %swap3A_194 = arith.index_cast %swap3A_193 : i32 to index
    %swap3A_195 = arith.constant 16 : index
    %swap3A_196 = tpu.vector_load %arg6[%swap3A_194, %swap3A_195] {strides = array<i32>} : memref<8x128xi32, #tpu.memory_space<vmem>>, vector<16xi32>,
    tpu.vector_store %arg6[%swap3A_194, %swap3A_195], %add3A_192 {strides = array<i32>} : memref<8x128xi32, #tpu.memory_space<vmem>>, vector<16xi32>,
    %add3A_197 = arith.constant 80 : i32
    %add3A_198 = vector.broadcast %add3A_197 : i32 to vector<16xi32>
    %add3A_199 = arith.addi %and3A_4, %add3A_198 : vector<16xi32>
    %gather3A_200 = tpu.vector_load_idx %arg5[%add3A_199] : memref<512xi32, #tpu.memory_space<vmem>>[vector<16xi32>], vector<16xi32>,
    %shift_right_arithmetic3A_201 = arith.constant 3 : i32
    %shift_right_arithmetic3A_202 = vector.broadcast %shift_right_arithmetic3A_201 : i32 to vector<16xi32>
    %shift_right_arithmetic3A_203 = arith.shrsi %gather3A_200, %shift_right_arithmetic3A_202 : vector<16xi32>
    %shift_left3A_204 = arith.constant 4 : i32
    %shift_left3A_205 = vector.broadcast %shift_left3A_204 : i32 to vector<16xi32>
    %shift_left3A_206 = arith.shli %shift_right_arithmetic3A_203, %shift_left3A_205 : vector<16xi32>
    %and3A_207 = arith.constant 7 : i32
    %and3A_208 = vector.broadcast %and3A_207 : i32 to vector<16xi32>
    %and3A_209 = arith.andi %gather3A_200, %and3A_208 : vector<16xi32>
    %add3A_210 = arith.addi %shift_left3A_206, %and3A_209 : vector<16xi32>
    %add3A_211 = arith.addi %add3A_210, %shift_left3A_8 : vector<16xi32>
    %swap3A_212 = arith.constant 1 : i32
    %swap3A_213 = arith.index_cast %swap3A_212 : i32 to index
    %swap3A_214 = arith.constant 32 : index
    %swap3A_215 = tpu.vector_load %arg6[%swap3A_213, %swap3A_214] {strides = array<i32>} : memref<8x128xi32, #tpu.memory_space<vmem>>, vector<16xi32>,
    tpu.vector_store %arg6[%swap3A_213, %swap3A_214], %add3A_211 {strides = array<i32>} : memref<8x128xi32, #tpu.memory_space<vmem>>, vector<16xi32>,
    %add3A_216 = arith.constant 88 : i32
    %add3A_217 = vector.broadcast %add3A_216 : i32 to vector<16xi32>
    %add3A_218 = arith.addi %and3A_4, %add3A_217 : vector<16xi32>
    %gather3A_219 = tpu.vector_load_idx %arg5[%add3A_218] : memref<512xi32, #tpu.memory_space<vmem>>[vector<16xi32>], vector<16xi32>,
    %shift_right_arithmetic3A_220 = arith.constant 3 : i32
    %shift_right_arithmetic3A_221 = vector.broadcast %shift_right_arithmetic3A_220 : i32 to vector<16xi32>
    %shift_right_arithmetic3A_222 = arith.shrsi %gather3A_219, %shift_right_arithmetic3A_221 : vector<16xi32>
    %shift_left3A_223 = arith.constant 4 : i32
    %shift_left3A_224 = vector.broadcast %shift_left3A_223 : i32 to vector<16xi32>
    %shift_left3A_225 = arith.shli %shift_right_arithmetic3A_222, %shift_left3A_224 : vector<16xi32>
    %and3A_226 = arith.constant 7 : i32
    %and3A_227 = vector.broadcast %and3A_226 : i32 to vector<16xi32>
    %and3A_228 = arith.andi %gather3A_219, %and3A_227 : vector<16xi32>
    %add3A_229 = arith.addi %shift_left3A_225, %and3A_228 : vector<16xi32>
    %add3A_230 = arith.addi %add3A_229, %shift_left3A_8 : vector<16xi32>
    %swap3A_231 = arith.constant 1 : i32
    %swap3A_232 = arith.index_cast %swap3A_231 : i32 to index
    %swap3A_233 = arith.constant 48 : index
    %swap3A_234 = tpu.vector_load %arg6[%swap3A_232, %swap3A_233] {strides = array<i32>} : memref<8x128xi32, #tpu.memory_space<vmem>>, vector<16xi32>,
    tpu.vector_store %arg6[%swap3A_232, %swap3A_233], %add3A_230 {strides = array<i32>} : memref<8x128xi32, #tpu.memory_space<vmem>>, vector<16xi32>,
    %add3A_235 = arith.constant 96 : i32
    %add3A_236 = vector.broadcast %add3A_235 : i32 to vector<16xi32>
    %add3A_237 = arith.addi %and3A_4, %add3A_236 : vector<16xi32>
    %gather3A_238 = tpu.vector_load_idx %arg5[%add3A_237] : memref<512xi32, #tpu.memory_space<vmem>>[vector<16xi32>], vector<16xi32>,
    %shift_right_arithmetic3A_239 = arith.constant 3 : i32
    %shift_right_arithmetic3A_240 = vector.broadcast %shift_right_arithmetic3A_239 : i32 to vector<16xi32>
    %shift_right_arithmetic3A_241 = arith.shrsi %gather3A_238, %shift_right_arithmetic3A_240 : vector<16xi32>
    %shift_left3A_242 = arith.constant 4 : i32
    %shift_left3A_243 = vector.broadcast %shift_left3A_242 : i32 to vector<16xi32>
    %shift_left3A_244 = arith.shli %shift_right_arithmetic3A_241, %shift_left3A_243 : vector<16xi32>
    %and3A_245 = arith.constant 7 : i32
    %and3A_246 = vector.broadcast %and3A_245 : i32 to vector<16xi32>
    %and3A_247 = arith.andi %gather3A_238, %and3A_246 : vector<16xi32>
    %add3A_248 = arith.addi %shift_left3A_244, %and3A_247 : vector<16xi32>
    %add3A_249 = arith.addi %add3A_248, %shift_left3A_8 : vector<16xi32>
    %swap3A_250 = arith.constant 1 : i32
    %swap3A_251 = arith.index_cast %swap3A_250 : i32 to index
    %swap3A_252 = arith.constant 64 : index
    %swap3A_253 = tpu.vector_load %arg6[%swap3A_251, %swap3A_252] {strides = array<i32>} : memref<8x128xi32, #tpu.memory_space<vmem>>, vector<16xi32>,
    tpu.vector_store %arg6[%swap3A_251, %swap3A_252], %add3A_249 {strides = array<i32>} : memref<8x128xi32, #tpu.memory_space<vmem>>, vector<16xi32>,
    %add3A_254 = arith.constant 104 : i32
    %add3A_255 = vector.broadcast %add3A_254 : i32 to vector<16xi32>
    %add3A_256 = arith.addi %and3A_4, %add3A_255 : vector<16xi32>
    %gather3A_257 = tpu.vector_load_idx %arg5[%add3A_256] : memref<512xi32, #tpu.memory_space<vmem>>[vector<16xi32>], vector<16xi32>,
    %shift_right_arithmetic3A_258 = arith.constant 3 : i32
    %shift_right_arithmetic3A_259 = vector.broadcast %shift_right_arithmetic3A_258 : i32 to vector<16xi32>
    %shift_right_arithmetic3A_260 = arith.shrsi %gather3A_257, %shift_right_arithmetic3A_259 : vector<16xi32>
    %shift_left3A_261 = arith.constant 4 : i32
    %shift_left3A_262 = vector.broadcast %shift_left3A_261 : i32 to vector<16xi32>
    %shift_left3A_263 = arith.shli %shift_right_arithmetic3A_260, %shift_left3A_262 : vector<16xi32>
    %and3A_264 = arith.constant 7 : i32
    %and3A_265 = vector.broadcast %and3A_264 : i32 to vector<16xi32>
    %and3A_266 = arith.andi %gather3A_257, %and3A_265 : vector<16xi32>
    %add3A_267 = arith.addi %shift_left3A_263, %and3A_266 : vector<16xi32>
    %add3A_268 = arith.addi %add3A_267, %shift_left3A_8 : vector<16xi32>
    %swap3A_269 = arith.constant 1 : i32
    %swap3A_270 = arith.index_cast %swap3A_269 : i32 to index
    %swap3A_271 = arith.constant 80 : index
    %swap3A_272 = tpu.vector_load %arg6[%swap3A_270, %swap3A_271] {strides = array<i32>} : memref<8x128xi32, #tpu.memory_space<vmem>>, vector<16xi32>,
    tpu.vector_store %arg6[%swap3A_270, %swap3A_271], %add3A_268 {strides = array<i32>} : memref<8x128xi32, #tpu.memory_space<vmem>>, vector<16xi32>,
    %add3A_273 = arith.constant 112 : i32
    %add3A_274 = vector.broadcast %add3A_273 : i32 to vector<16xi32>
    %add3A_275 = arith.addi %and3A_4, %add3A_274 : vector<16xi32>
    %gather3A_276 = tpu.vector_load_idx %arg5[%add3A_275] : memref<512xi32, #tpu.memory_space<vmem>>[vector<16xi32>], vector<16xi32>,
    %shift_right_arithmetic3A_277 = arith.constant 3 : i32
    %shift_right_arithmetic3A_278 = vector.broadcast %shift_right_arithmetic3A_277 : i32 to vector<16xi32>
    %shift_right_arithmetic3A_279 = arith.shrsi %gather3A_276, %shift_right_arithmetic3A_278 : vector<16xi32>
    %shift_left3A_280 = arith.constant 4 : i32
    %shift_left3A_281 = vector.broadcast %shift_left3A_280 : i32 to vector<16xi32>
    %shift_left3A_282 = arith.shli %shift_right_arithmetic3A_279, %shift_left3A_281 : vector<16xi32>
    %and3A_283 = arith.constant 7 : i32
    %and3A_284 = vector.broadcast %and3A_283 : i32 to vector<16xi32>
    %and3A_285 = arith.andi %gather3A_276, %and3A_284 : vector<16xi32>
    %add3A_286 = arith.addi %shift_left3A_282, %and3A_285 : vector<16xi32>
    %add3A_287 = arith.addi %add3A_286, %shift_left3A_8 : vector<16xi32>
    %swap3A_288 = arith.constant 1 : i32
    %swap3A_289 = arith.index_cast %swap3A_288 : i32 to index
    %swap3A_290 = arith.constant 96 : index
    %swap3A_291 = tpu.vector_load %arg6[%swap3A_289, %swap3A_290] {strides = array<i32>} : memref<8x128xi32, #tpu.memory_space<vmem>>, vector<16xi32>,
    tpu.vector_store %arg6[%swap3A_289, %swap3A_290], %add3A_287 {strides = array<i32>} : memref<8x128xi32, #tpu.memory_space<vmem>>, vector<16xi32>,
    %add3A_292 = arith.constant 120 : i32
    %add3A_293 = vector.broadcast %add3A_292 : i32 to vector<16xi32>
    %add3A_294 = arith.addi %and3A_4, %add3A_293 : vector<16xi32>
    %gather3A_295 = tpu.vector_load_idx %arg5[%add3A_294] : memref<512xi32, #tpu.memory_space<vmem>>[vector<16xi32>], vector<16xi32>,
    %shift_right_arithmetic3A_296 = arith.constant 3 : i32
    %shift_right_arithmetic3A_297 = vector.broadcast %shift_right_arithmetic3A_296 : i32 to vector<16xi32>
    %shift_right_arithmetic3A_298 = arith.shrsi %gather3A_295, %shift_right_arithmetic3A_297 : vector<16xi32>
    %shift_left3A_299 = arith.constant 4 : i32
    %shift_left3A_300 = vector.broadcast %shift_left3A_299 : i32 to vector<16xi32>
    %shift_left3A_301 = arith.shli %shift_right_arithmetic3A_298, %shift_left3A_300 : vector<16xi32>
    %and3A_302 = arith.constant 7 : i32
    %and3A_303 = vector.broadcast %and3A_302 : i32 to vector<16xi32>
    %and3A_304 = arith.andi %gather3A_295, %and3A_303 : vector<16xi32>
    %add3A_305 = arith.addi %shift_left3A_301, %and3A_304 : vector<16xi32>
    %add3A_306 = arith.addi %add3A_305, %shift_left3A_8 : vector<16xi32>
    %swap3A_307 = arith.constant 1 : i32
    %swap3A_308 = arith.index_cast %swap3A_307 : i32 to index
    %swap3A_309 = arith.constant 112 : index
    %swap3A_310 = tpu.vector_load %arg6[%swap3A_308, %swap3A_309] {strides = array<i32>} : memref<8x128xi32, #tpu.memory_space<vmem>>, vector<16xi32>,
    tpu.vector_store %arg6[%swap3A_308, %swap3A_309], %add3A_306 {strides = array<i32>} : memref<8x128xi32, #tpu.memory_space<vmem>>, vector<16xi32>,
    %add3A_311 = arith.constant 128 : i32
    %add3A_312 = vector.broadcast %add3A_311 : i32 to vector<16xi32>
    %add3A_313 = arith.addi %and3A_4, %add3A_312 : vector<16xi32>
    %gather3A_314 = tpu.vector_load_idx %arg5[%add3A_313] : memref<512xi32, #tpu.memory_space<vmem>>[vector<16xi32>], vector<16xi32>,
    %shift_right_arithmetic3A_315 = arith.constant 3 : i32
    %shift_right_arithmetic3A_316 = vector.broadcast %shift_right_arithmetic3A_315 : i32 to vector<16xi32>
    %shift_right_arithmetic3A_317 = arith.shrsi %gather3A_314, %shift_right_arithmetic3A_316 : vector<16xi32>
    %shift_left3A_318 = arith.constant 4 : i32
    %shift_left3A_319 = vector.broadcast %shift_left3A_318 : i32 to vector<16xi32>
    %shift_left3A_320 = arith.shli %shift_right_arithmetic3A_317, %shift_left3A_319 : vector<16xi32>
    %and3A_321 = arith.constant 7 : i32
    %and3A_322 = vector.broadcast %and3A_321 : i32 to vector<16xi32>
    %and3A_323 = arith.andi %gather3A_314, %and3A_322 : vector<16xi32>
    %add3A_324 = arith.addi %shift_left3A_320, %and3A_323 : vector<16xi32>
    %add3A_325 = arith.addi %add3A_324, %shift_left3A_8 : vector<16xi32>
    %swap3A_326 = arith.constant 2 : i32
    %swap3A_327 = arith.index_cast %swap3A_326 : i32 to index
    %swap3A_328 = arith.constant 0 : index
    %swap3A_329 = tpu.vector_load %arg6[%swap3A_327, %swap3A_328] {strides = array<i32>} : memref<8x128xi32, #tpu.memory_space<vmem>>, vector<16xi32>,
    tpu.vector_store %arg6[%swap3A_327, %swap3A_328], %add3A_325 {strides = array<i32>} : memref<8x128xi32, #tpu.memory_space<vmem>>, vector<16xi32>,
    %add3A_330 = arith.constant 136 : i32
    %add3A_331 = vector.broadcast %add3A_330 : i32 to vector<16xi32>
    %add3A_332 = arith.addi %and3A_4, %add3A_331 : vector<16xi32>
    %gather3A_333 = tpu.vector_load_idx %arg5[%add3A_332] : memref<512xi32, #tpu.memory_space<vmem>>[vector<16xi32>], vector<16xi32>,
    %shift_right_arithmetic3A_334 = arith.constant 3 : i32
    %shift_right_arithmetic3A_335 = vector.broadcast %shift_right_arithmetic3A_334 : i32 to vector<16xi32>
    %shift_right_arithmetic3A_336 = arith.shrsi %gather3A_333, %shift_right_arithmetic3A_335 : vector<16xi32>
    %shift_left3A_337 = arith.constant 4 : i32
    %shift_left3A_338 = vector.broadcast %shift_left3A_337 : i32 to vector<16xi32>
    %shift_left3A_339 = arith.shli %shift_right_arithmetic3A_336, %shift_left3A_338 : vector<16xi32>
    %and3A_340 = arith.constant 7 : i32
    %and3A_341 = vector.broadcast %and3A_340 : i32 to vector<16xi32>
    %and3A_342 = arith.andi %gather3A_333, %and3A_341 : vector<16xi32>
    %add3A_343 = arith.addi %shift_left3A_339, %and3A_342 : vector<16xi32>
    %add3A_344 = arith.addi %add3A_343, %shift_left3A_8 : vector<16xi32>
    %swap3A_345 = arith.constant 2 : i32
    %swap3A_346 = arith.index_cast %swap3A_345 : i32 to index
    %swap3A_347 = arith.constant 16 : index
    %swap3A_348 = tpu.vector_load %arg6[%swap3A_346, %swap3A_347] {strides = array<i32>} : memref<8x128xi32, #tpu.memory_space<vmem>>, vector<16xi32>,
    tpu.vector_store %arg6[%swap3A_346, %swap3A_347], %add3A_344 {strides = array<i32>} : memref<8x128xi32, #tpu.memory_space<vmem>>, vector<16xi32>,
    %add3A_349 = arith.constant 144 : i32
    %add3A_350 = vector.broadcast %add3A_349 : i32 to vector<16xi32>
    %add3A_351 = arith.addi %and3A_4, %add3A_350 : vector<16xi32>
    %gather3A_352 = tpu.vector_load_idx %arg5[%add3A_351] : memref<512xi32, #tpu.memory_space<vmem>>[vector<16xi32>], vector<16xi32>,
    %shift_right_arithmetic3A_353 = arith.constant 3 : i32
    %shift_right_arithmetic3A_354 = vector.broadcast %shift_right_arithmetic3A_353 : i32 to vector<16xi32>
    %shift_right_arithmetic3A_355 = arith.shrsi %gather3A_352, %shift_right_arithmetic3A_354 : vector<16xi32>
    %shift_left3A_356 = arith.constant 4 : i32
    %shift_left3A_357 = vector.broadcast %shift_left3A_356 : i32 to vector<16xi32>
    %shift_left3A_358 = arith.shli %shift_right_arithmetic3A_355, %shift_left3A_357 : vector<16xi32>
    %and3A_359 = arith.constant 7 : i32
    %and3A_360 = vector.broadcast %and3A_359 : i32 to vector<16xi32>
    %and3A_361 = arith.andi %gather3A_352, %and3A_360 : vector<16xi32>
    %add3A_362 = arith.addi %shift_left3A_358, %and3A_361 : vector<16xi32>
    %add3A_363 = arith.addi %add3A_362, %shift_left3A_8 : vector<16xi32>
    %swap3A_364 = arith.constant 2 : i32
    %swap3A_365 = arith.index_cast %swap3A_364 : i32 to index
    %swap3A_366 = arith.constant 32 : index
    %swap3A_367 = tpu.vector_load %arg6[%swap3A_365, %swap3A_366] {strides = array<i32>} : memref<8x128xi32, #tpu.memory_space<vmem>>, vector<16xi32>,
    tpu.vector_store %arg6[%swap3A_365, %swap3A_366], %add3A_363 {strides = array<i32>} : memref<8x128xi32, #tpu.memory_space<vmem>>, vector<16xi32>,
    %add3A_368 = arith.constant 152 : i32
    %add3A_369 = vector.broadcast %add3A_368 : i32 to vector<16xi32>
    %add3A_370 = arith.addi %and3A_4, %add3A_369 : vector<16xi32>
    %gather3A_371 = tpu.vector_load_idx %arg5[%add3A_370] : memref<512xi32, #tpu.memory_space<vmem>>[vector<16xi32>], vector<16xi32>,
    %shift_right_arithmetic3A_372 = arith.constant 3 : i32
    %shift_right_arithmetic3A_373 = vector.broadcast %shift_right_arithmetic3A_372 : i32 to vector<16xi32>
    %shift_right_arithmetic3A_374 = arith.shrsi %gather3A_371, %shift_right_arithmetic3A_373 : vector<16xi32>
    %shift_left3A_375 = arith.constant 4 : i32
    %shift_left3A_376 = vector.broadcast %shift_left3A_375 : i32 to vector<16xi32>
    %shift_left3A_377 = arith.shli %shift_right_arithmetic3A_374, %shift_left3A_376 : vector<16xi32>
    %and3A_378 = arith.constant 7 : i32
    %and3A_379 = vector.broadcast %and3A_378 : i32 to vector<16xi32>
    %and3A_380 = arith.andi %gather3A_371, %and3A_379 : vector<16xi32>
    %add3A_381 = arith.addi %shift_left3A_377, %and3A_380 : vector<16xi32>
    %add3A_382 = arith.addi %add3A_381, %shift_left3A_8 : vector<16xi32>
    %swap3A_383 = arith.constant 2 : i32
    %swap3A_384 = arith.index_cast %swap3A_383 : i32 to index
    %swap3A_385 = arith.constant 48 : index
    %swap3A_386 = tpu.vector_load %arg6[%swap3A_384, %swap3A_385] {strides = array<i32>} : memref<8x128xi32, #tpu.memory_space<vmem>>, vector<16xi32>,
    tpu.vector_store %arg6[%swap3A_384, %swap3A_385], %add3A_382 {strides = array<i32>} : memref<8x128xi32, #tpu.memory_space<vmem>>, vector<16xi32>,
    %add3A_387 = arith.constant 160 : i32
    %add3A_388 = vector.broadcast %add3A_387 : i32 to vector<16xi32>
    %add3A_389 = arith.addi %and3A_4, %add3A_388 : vector<16xi32>
    %gather3A_390 = tpu.vector_load_idx %arg5[%add3A_389] : memref<512xi32, #tpu.memory_space<vmem>>[vector<16xi32>], vector<16xi32>,
    %shift_right_arithmetic3A_391 = arith.constant 3 : i32
    %shift_right_arithmetic3A_392 = vector.broadcast %shift_right_arithmetic3A_391 : i32 to vector<16xi32>
    %shift_right_arithmetic3A_393 = arith.shrsi %gather3A_390, %shift_right_arithmetic3A_392 : vector<16xi32>
    %shift_left3A_394 = arith.constant 4 : i32
    %shift_left3A_395 = vector.broadcast %shift_left3A_394 : i32 to vector<16xi32>
    %shift_left3A_396 = arith.shli %shift_right_arithmetic3A_393, %shift_left3A_395 : vector<16xi32>
    %and3A_397 = arith.constant 7 : i32
    %and3A_398 = vector.broadcast %and3A_397 : i32 to vector<16xi32>
    %and3A_399 = arith.andi %gather3A_390, %and3A_398 : vector<16xi32>
    %add3A_400 = arith.addi %shift_left3A_396, %and3A_399 : vector<16xi32>
    %add3A_401 = arith.addi %add3A_400, %shift_left3A_8 : vector<16xi32>
    %swap3A_402 = arith.constant 2 : i32
    %swap3A_403 = arith.index_cast %swap3A_402 : i32 to index
    %swap3A_404 = arith.constant 64 : index
    %swap3A_405 = tpu.vector_load %arg6[%swap3A_403, %swap3A_404] {strides = array<i32>} : memref<8x128xi32, #tpu.memory_space<vmem>>, vector<16xi32>,
    tpu.vector_store %arg6[%swap3A_403, %swap3A_404], %add3A_401 {strides = array<i32>} : memref<8x128xi32, #tpu.memory_space<vmem>>, vector<16xi32>,
    %add3A_406 = arith.constant 168 : i32
    %add3A_407 = vector.broadcast %add3A_406 : i32 to vector<16xi32>
    %add3A_408 = arith.addi %and3A_4, %add3A_407 : vector<16xi32>
    %gather3A_409 = tpu.vector_load_idx %arg5[%add3A_408] : memref<512xi32, #tpu.memory_space<vmem>>[vector<16xi32>], vector<16xi32>,
    %shift_right_arithmetic3A_410 = arith.constant 3 : i32
    %shift_right_arithmetic3A_411 = vector.broadcast %shift_right_arithmetic3A_410 : i32 to vector<16xi32>
    %shift_right_arithmetic3A_412 = arith.shrsi %gather3A_409, %shift_right_arithmetic3A_411 : vector<16xi32>
    %shift_left3A_413 = arith.constant 4 : i32
    %shift_left3A_414 = vector.broadcast %shift_left3A_413 : i32 to vector<16xi32>
    %shift_left3A_415 = arith.shli %shift_right_arithmetic3A_412, %shift_left3A_414 : vector<16xi32>
    %and3A_416 = arith.constant 7 : i32
    %and3A_417 = vector.broadcast %and3A_416 : i32 to vector<16xi32>
    %and3A_418 = arith.andi %gather3A_409, %and3A_417 : vector<16xi32>
    %add3A_419 = arith.addi %shift_left3A_415, %and3A_418 : vector<16xi32>
    %add3A_420 = arith.addi %add3A_419, %shift_left3A_8 : vector<16xi32>
    %swap3A_421 = arith.constant 2 : i32
    %swap3A_422 = arith.index_cast %swap3A_421 : i32 to index
    %swap3A_423 = arith.constant 80 : index
    %swap3A_424 = tpu.vector_load %arg6[%swap3A_422, %swap3A_423] {strides = array<i32>} : memref<8x128xi32, #tpu.memory_space<vmem>>, vector<16xi32>,
    tpu.vector_store %arg6[%swap3A_422, %swap3A_423], %add3A_420 {strides = array<i32>} : memref<8x128xi32, #tpu.memory_space<vmem>>, vector<16xi32>,
    %add3A_425 = arith.constant 176 : i32
    %add3A_426 = vector.broadcast %add3A_425 : i32 to vector<16xi32>
    %add3A_427 = arith.addi %and3A_4, %add3A_426 : vector<16xi32>
    %gather3A_428 = tpu.vector_load_idx %arg5[%add3A_427] : memref<512xi32, #tpu.memory_space<vmem>>[vector<16xi32>], vector<16xi32>,
    %shift_right_arithmetic3A_429 = arith.constant 3 : i32
    %shift_right_arithmetic3A_430 = vector.broadcast %shift_right_arithmetic3A_429 : i32 to vector<16xi32>
    %shift_right_arithmetic3A_431 = arith.shrsi %gather3A_428, %shift_right_arithmetic3A_430 : vector<16xi32>
    %shift_left3A_432 = arith.constant 4 : i32
    %shift_left3A_433 = vector.broadcast %shift_left3A_432 : i32 to vector<16xi32>
    %shift_left3A_434 = arith.shli %shift_right_arithmetic3A_431, %shift_left3A_433 : vector<16xi32>
    %and3A_435 = arith.constant 7 : i32
    %and3A_436 = vector.broadcast %and3A_435 : i32 to vector<16xi32>
    %and3A_437 = arith.andi %gather3A_428, %and3A_436 : vector<16xi32>
    %add3A_438 = arith.addi %shift_left3A_434, %and3A_437 : vector<16xi32>
    %add3A_439 = arith.addi %add3A_438, %shift_left3A_8 : vector<16xi32>
    %swap3A_440 = arith.constant 2 : i32
    %swap3A_441 = arith.index_cast %swap3A_440 : i32 to index
    %swap3A_442 = arith.constant 96 : index
    %swap3A_443 = tpu.vector_load %arg6[%swap3A_441, %swap3A_442] {strides = array<i32>} : memref<8x128xi32, #tpu.memory_space<vmem>>, vector<16xi32>,
    tpu.vector_store %arg6[%swap3A_441, %swap3A_442], %add3A_439 {strides = array<i32>} : memref<8x128xi32, #tpu.memory_space<vmem>>, vector<16xi32>,
    %add3A_444 = arith.constant 184 : i32
    %add3A_445 = vector.broadcast %add3A_444 : i32 to vector<16xi32>
    %add3A_446 = arith.addi %and3A_4, %add3A_445 : vector<16xi32>
    %gather3A_447 = tpu.vector_load_idx %arg5[%add3A_446] : memref<512xi32, #tpu.memory_space<vmem>>[vector<16xi32>], vector<16xi32>,
    %shift_right_arithmetic3A_448 = arith.constant 3 : i32
    %shift_right_arithmetic3A_449 = vector.broadcast %shift_right_arithmetic3A_448 : i32 to vector<16xi32>
    %shift_right_arithmetic3A_450 = arith.shrsi %gather3A_447, %shift_right_arithmetic3A_449 : vector<16xi32>
    %shift_left3A_451 = arith.constant 4 : i32
    %shift_left3A_452 = vector.broadcast %shift_left3A_451 : i32 to vector<16xi32>
    %shift_left3A_453 = arith.shli %shift_right_arithmetic3A_450, %shift_left3A_452 : vector<16xi32>
    %and3A_454 = arith.constant 7 : i32
    %and3A_455 = vector.broadcast %and3A_454 : i32 to vector<16xi32>
    %and3A_456 = arith.andi %gather3A_447, %and3A_455 : vector<16xi32>
    %add3A_457 = arith.addi %shift_left3A_453, %and3A_456 : vector<16xi32>
    %add3A_458 = arith.addi %add3A_457, %shift_left3A_8 : vector<16xi32>
    %swap3A_459 = arith.constant 2 : i32
    %swap3A_460 = arith.index_cast %swap3A_459 : i32 to index
    %swap3A_461 = arith.constant 112 : index
    %swap3A_462 = tpu.vector_load %arg6[%swap3A_460, %swap3A_461] {strides = array<i32>} : memref<8x128xi32, #tpu.memory_space<vmem>>, vector<16xi32>,
    tpu.vector_store %arg6[%swap3A_460, %swap3A_461], %add3A_458 {strides = array<i32>} : memref<8x128xi32, #tpu.memory_space<vmem>>, vector<16xi32>,
    %add3A_463 = arith.constant 192 : i32
    %add3A_464 = vector.broadcast %add3A_463 : i32 to vector<16xi32>
    %add3A_465 = arith.addi %and3A_4, %add3A_464 : vector<16xi32>
    %gather3A_466 = tpu.vector_load_idx %arg5[%add3A_465] : memref<512xi32, #tpu.memory_space<vmem>>[vector<16xi32>], vector<16xi32>,
    %shift_right_arithmetic3A_467 = arith.constant 3 : i32
    %shift_right_arithmetic3A_468 = vector.broadcast %shift_right_arithmetic3A_467 : i32 to vector<16xi32>
    %shift_right_arithmetic3A_469 = arith.shrsi %gather3A_466, %shift_right_arithmetic3A_468 : vector<16xi32>
    %shift_left3A_470 = arith.constant 4 : i32
    %shift_left3A_471 = vector.broadcast %shift_left3A_470 : i32 to vector<16xi32>
    %shift_left3A_472 = arith.shli %shift_right_arithmetic3A_469, %shift_left3A_471 : vector<16xi32>
    %and3A_473 = arith.constant 7 : i32
    %and3A_474 = vector.broadcast %and3A_473 : i32 to vector<16xi32>
    %and3A_475 = arith.andi %gather3A_466, %and3A_474 : vector<16xi32>
    %add3A_476 = arith.addi %shift_left3A_472, %and3A_475 : vector<16xi32>
    %add3A_477 = arith.addi %add3A_476, %shift_left3A_8 : vector<16xi32>
    %swap3A_478 = arith.constant 3 : i32
    %swap3A_479 = arith.index_cast %swap3A_478 : i32 to index
    %swap3A_480 = arith.constant 0 : index
    %swap3A_481 = tpu.vector_load %arg6[%swap3A_479, %swap3A_480] {strides = array<i32>} : memref<8x128xi32, #tpu.memory_space<vmem>>, vector<16xi32>,
    tpu.vector_store %arg6[%swap3A_479, %swap3A_480], %add3A_477 {strides = array<i32>} : memref<8x128xi32, #tpu.memory_space<vmem>>, vector<16xi32>,
    %add3A_482 = arith.constant 200 : i32
    %add3A_483 = vector.broadcast %add3A_482 : i32 to vector<16xi32>
    %add3A_484 = arith.addi %and3A_4, %add3A_483 : vector<16xi32>
    %gather3A_485 = tpu.vector_load_idx %arg5[%add3A_484] : memref<512xi32, #tpu.memory_space<vmem>>[vector<16xi32>], vector<16xi32>,
    %shift_right_arithmetic3A_486 = arith.constant 3 : i32
    %shift_right_arithmetic3A_487 = vector.broadcast %shift_right_arithmetic3A_486 : i32 to vector<16xi32>
    %shift_right_arithmetic3A_488 = arith.shrsi %gather3A_485, %shift_right_arithmetic3A_487 : vector<16xi32>
    %shift_left3A_489 = arith.constant 4 : i32
    %shift_left3A_490 = vector.broadcast %shift_left3A_489 : i32 to vector<16xi32>
    %shift_left3A_491 = arith.shli %shift_right_arithmetic3A_488, %shift_left3A_490 : vector<16xi32>
    %and3A_492 = arith.constant 7 : i32
    %and3A_493 = vector.broadcast %and3A_492 : i32 to vector<16xi32>
    %and3A_494 = arith.andi %gather3A_485, %and3A_493 : vector<16xi32>
    %add3A_495 = arith.addi %shift_left3A_491, %and3A_494 : vector<16xi32>
    %add3A_496 = arith.addi %add3A_495, %shift_left3A_8 : vector<16xi32>
    %swap3A_497 = arith.constant 3 : i32
    %swap3A_498 = arith.index_cast %swap3A_497 : i32 to index
    %swap3A_499 = arith.constant 16 : index
    %swap3A_500 = tpu.vector_load %arg6[%swap3A_498, %swap3A_499] {strides = array<i32>} : memref<8x128xi32, #tpu.memory_space<vmem>>, vector<16xi32>,
    tpu.vector_store %arg6[%swap3A_498, %swap3A_499], %add3A_496 {strides = array<i32>} : memref<8x128xi32, #tpu.memory_space<vmem>>, vector<16xi32>,
    %add3A_501 = arith.constant 208 : i32
    %add3A_502 = vector.broadcast %add3A_501 : i32 to vector<16xi32>
    %add3A_503 = arith.addi %and3A_4, %add3A_502 : vector<16xi32>
    %gather3A_504 = tpu.vector_load_idx %arg5[%add3A_503] : memref<512xi32, #tpu.memory_space<vmem>>[vector<16xi32>], vector<16xi32>,
    %shift_right_arithmetic3A_505 = arith.constant 3 : i32
    %shift_right_arithmetic3A_506 = vector.broadcast %shift_right_arithmetic3A_505 : i32 to vector<16xi32>
    %shift_right_arithmetic3A_507 = arith.shrsi %gather3A_504, %shift_right_arithmetic3A_506 : vector<16xi32>
    %shift_left3A_508 = arith.constant 4 : i32
    %shift_left3A_509 = vector.broadcast %shift_left3A_508 : i32 to vector<16xi32>
    %shift_left3A_510 = arith.shli %shift_right_arithmetic3A_507, %shift_left3A_509 : vector<16xi32>
    %and3A_511 = arith.constant 7 : i32
    %and3A_512 = vector.broadcast %and3A_511 : i32 to vector<16xi32>
    %and3A_513 = arith.andi %gather3A_504, %and3A_512 : vector<16xi32>
    %add3A_514 = arith.addi %shift_left3A_510, %and3A_513 : vector<16xi32>
    %add3A_515 = arith.addi %add3A_514, %shift_left3A_8 : vector<16xi32>
    %swap3A_516 = arith.constant 3 : i32
    %swap3A_517 = arith.index_cast %swap3A_516 : i32 to index
    %swap3A_518 = arith.constant 32 : index
    %swap3A_519 = tpu.vector_load %arg6[%swap3A_517, %swap3A_518] {strides = array<i32>} : memref<8x128xi32, #tpu.memory_space<vmem>>, vector<16xi32>,
    tpu.vector_store %arg6[%swap3A_517, %swap3A_518], %add3A_515 {strides = array<i32>} : memref<8x128xi32, #tpu.memory_space<vmem>>, vector<16xi32>,
    %add3A_520 = arith.constant 216 : i32
    %add3A_521 = vector.broadcast %add3A_520 : i32 to vector<16xi32>
    %add3A_522 = arith.addi %and3A_4, %add3A_521 : vector<16xi32>
    %gather3A_523 = tpu.vector_load_idx %arg5[%add3A_522] : memref<512xi32, #tpu.memory_space<vmem>>[vector<16xi32>], vector<16xi32>,
    %shift_right_arithmetic3A_524 = arith.constant 3 : i32
    %shift_right_arithmetic3A_525 = vector.broadcast %shift_right_arithmetic3A_524 : i32 to vector<16xi32>
    %shift_right_arithmetic3A_526 = arith.shrsi %gather3A_523, %shift_right_arithmetic3A_525 : vector<16xi32>
    %shift_left3A_527 = arith.constant 4 : i32
    %shift_left3A_528 = vector.broadcast %shift_left3A_527 : i32 to vector<16xi32>
    %shift_left3A_529 = arith.shli %shift_right_arithmetic3A_526, %shift_left3A_528 : vector<16xi32>
    %and3A_530 = arith.constant 7 : i32
    %and3A_531 = vector.broadcast %and3A_530 : i32 to vector<16xi32>
    %and3A_532 = arith.andi %gather3A_523, %and3A_531 : vector<16xi32>
    %add3A_533 = arith.addi %shift_left3A_529, %and3A_532 : vector<16xi32>
    %add3A_534 = arith.addi %add3A_533, %shift_left3A_8 : vector<16xi32>
    %swap3A_535 = arith.constant 3 : i32
    %swap3A_536 = arith.index_cast %swap3A_535 : i32 to index
    %swap3A_537 = arith.constant 48 : index
    %swap3A_538 = tpu.vector_load %arg6[%swap3A_536, %swap3A_537] {strides = array<i32>} : memref<8x128xi32, #tpu.memory_space<vmem>>, vector<16xi32>,
    tpu.vector_store %arg6[%swap3A_536, %swap3A_537], %add3A_534 {strides = array<i32>} : memref<8x128xi32, #tpu.memory_space<vmem>>, vector<16xi32>,
    %add3A_539 = arith.constant 224 : i32
    %add3A_540 = vector.broadcast %add3A_539 : i32 to vector<16xi32>
    %add3A_541 = arith.addi %and3A_4, %add3A_540 : vector<16xi32>
    %gather3A_542 = tpu.vector_load_idx %arg5[%add3A_541] : memref<512xi32, #tpu.memory_space<vmem>>[vector<16xi32>], vector<16xi32>,
    %shift_right_arithmetic3A_543 = arith.constant 3 : i32
    %shift_right_arithmetic3A_544 = vector.broadcast %shift_right_arithmetic3A_543 : i32 to vector<16xi32>
    %shift_right_arithmetic3A_545 = arith.shrsi %gather3A_542, %shift_right_arithmetic3A_544 : vector<16xi32>
    %shift_left3A_546 = arith.constant 4 : i32
    %shift_left3A_547 = vector.broadcast %shift_left3A_546 : i32 to vector<16xi32>
    %shift_left3A_548 = arith.shli %shift_right_arithmetic3A_545, %shift_left3A_547 : vector<16xi32>
    %and3A_549 = arith.constant 7 : i32
    %and3A_550 = vector.broadcast %and3A_549 : i32 to vector<16xi32>
    %and3A_551 = arith.andi %gather3A_542, %and3A_550 : vector<16xi32>
    %add3A_552 = arith.addi %shift_left3A_548, %and3A_551 : vector<16xi32>
    %add3A_553 = arith.addi %add3A_552, %shift_left3A_8 : vector<16xi32>
    %swap3A_554 = arith.constant 3 : i32
    %swap3A_555 = arith.index_cast %swap3A_554 : i32 to index
    %swap3A_556 = arith.constant 64 : index
    %swap3A_557 = tpu.vector_load %arg6[%swap3A_555, %swap3A_556] {strides = array<i32>} : memref<8x128xi32, #tpu.memory_space<vmem>>, vector<16xi32>,
    tpu.vector_store %arg6[%swap3A_555, %swap3A_556], %add3A_553 {strides = array<i32>} : memref<8x128xi32, #tpu.memory_space<vmem>>, vector<16xi32>,
    %add3A_558 = arith.constant 232 : i32
    %add3A_559 = vector.broadcast %add3A_558 : i32 to vector<16xi32>
    %add3A_560 = arith.addi %and3A_4, %add3A_559 : vector<16xi32>
    %gather3A_561 = tpu.vector_load_idx %arg5[%add3A_560] : memref<512xi32, #tpu.memory_space<vmem>>[vector<16xi32>], vector<16xi32>,
    %shift_right_arithmetic3A_562 = arith.constant 3 : i32
    %shift_right_arithmetic3A_563 = vector.broadcast %shift_right_arithmetic3A_562 : i32 to vector<16xi32>
    %shift_right_arithmetic3A_564 = arith.shrsi %gather3A_561, %shift_right_arithmetic3A_563 : vector<16xi32>
    %shift_left3A_565 = arith.constant 4 : i32
    %shift_left3A_566 = vector.broadcast %shift_left3A_565 : i32 to vector<16xi32>
    %shift_left3A_567 = arith.shli %shift_right_arithmetic3A_564, %shift_left3A_566 : vector<16xi32>
    %and3A_568 = arith.constant 7 : i32
    %and3A_569 = vector.broadcast %and3A_568 : i32 to vector<16xi32>
    %and3A_570 = arith.andi %gather3A_561, %and3A_569 : vector<16xi32>
    %add3A_571 = arith.addi %shift_left3A_567, %and3A_570 : vector<16xi32>
    %add3A_572 = arith.addi %add3A_571, %shift_left3A_8 : vector<16xi32>
    %swap3A_573 = arith.constant 3 : i32
    %swap3A_574 = arith.index_cast %swap3A_573 : i32 to index
    %swap3A_575 = arith.constant 80 : index
    %swap3A_576 = tpu.vector_load %arg6[%swap3A_574, %swap3A_575] {strides = array<i32>} : memref<8x128xi32, #tpu.memory_space<vmem>>, vector<16xi32>,
    tpu.vector_store %arg6[%swap3A_574, %swap3A_575], %add3A_572 {strides = array<i32>} : memref<8x128xi32, #tpu.memory_space<vmem>>, vector<16xi32>,
    %add3A_577 = arith.constant 240 : i32
    %add3A_578 = vector.broadcast %add3A_577 : i32 to vector<16xi32>
    %add3A_579 = arith.addi %and3A_4, %add3A_578 : vector<16xi32>
    %gather3A_580 = tpu.vector_load_idx %arg5[%add3A_579] : memref<512xi32, #tpu.memory_space<vmem>>[vector<16xi32>], vector<16xi32>,
    %shift_right_arithmetic3A_581 = arith.constant 3 : i32
    %shift_right_arithmetic3A_582 = vector.broadcast %shift_right_arithmetic3A_581 : i32 to vector<16xi32>
    %shift_right_arithmetic3A_583 = arith.shrsi %gather3A_580, %shift_right_arithmetic3A_582 : vector<16xi32>
    %shift_left3A_584 = arith.constant 4 : i32
    %shift_left3A_585 = vector.broadcast %shift_left3A_584 : i32 to vector<16xi32>
    %shift_left3A_586 = arith.shli %shift_right_arithmetic3A_583, %shift_left3A_585 : vector<16xi32>
    %and3A_587 = arith.constant 7 : i32
    %and3A_588 = vector.broadcast %and3A_587 : i32 to vector<16xi32>
    %and3A_589 = arith.andi %gather3A_580, %and3A_588 : vector<16xi32>
    %add3A_590 = arith.addi %shift_left3A_586, %and3A_589 : vector<16xi32>
    %add3A_591 = arith.addi %add3A_590, %shift_left3A_8 : vector<16xi32>
    %swap3A_592 = arith.constant 3 : i32
    %swap3A_593 = arith.index_cast %swap3A_592 : i32 to index
    %swap3A_594 = arith.constant 96 : index
    %swap3A_595 = tpu.vector_load %arg6[%swap3A_593, %swap3A_594] {strides = array<i32>} : memref<8x128xi32, #tpu.memory_space<vmem>>, vector<16xi32>,
    tpu.vector_store %arg6[%swap3A_593, %swap3A_594], %add3A_591 {strides = array<i32>} : memref<8x128xi32, #tpu.memory_space<vmem>>, vector<16xi32>,
    %add3A_596 = arith.constant 248 : i32
    %add3A_597 = vector.broadcast %add3A_596 : i32 to vector<16xi32>
    %add3A_598 = arith.addi %and3A_4, %add3A_597 : vector<16xi32>
    %gather3A_599 = tpu.vector_load_idx %arg5[%add3A_598] : memref<512xi32, #tpu.memory_space<vmem>>[vector<16xi32>], vector<16xi32>,
    %shift_right_arithmetic3A_600 = arith.constant 3 : i32
    %shift_right_arithmetic3A_601 = vector.broadcast %shift_right_arithmetic3A_600 : i32 to vector<16xi32>
    %shift_right_arithmetic3A_602 = arith.shrsi %gather3A_599, %shift_right_arithmetic3A_601 : vector<16xi32>
    %shift_left3A_603 = arith.constant 4 : i32
    %shift_left3A_604 = vector.broadcast %shift_left3A_603 : i32 to vector<16xi32>
    %shift_left3A_605 = arith.shli %shift_right_arithmetic3A_602, %shift_left3A_604 : vector<16xi32>
    %and3A_606 = arith.constant 7 : i32
    %and3A_607 = vector.broadcast %and3A_606 : i32 to vector<16xi32>
    %and3A_608 = arith.andi %gather3A_599, %and3A_607 : vector<16xi32>
    %add3A_609 = arith.addi %shift_left3A_605, %and3A_608 : vector<16xi32>
    %add3A_610 = arith.addi %add3A_609, %shift_left3A_8 : vector<16xi32>
    %swap3A_611 = arith.constant 3 : i32
    %swap3A_612 = arith.index_cast %swap3A_611 : i32 to index
    %swap3A_613 = arith.constant 112 : index
    %swap3A_614 = tpu.vector_load %arg6[%swap3A_612, %swap3A_613] {strides = array<i32>} : memref<8x128xi32, #tpu.memory_space<vmem>>, vector<16xi32>,
    tpu.vector_store %arg6[%swap3A_612, %swap3A_613], %add3A_610 {strides = array<i32>} : memref<8x128xi32, #tpu.memory_space<vmem>>, vector<16xi32>,
    %add3A_615 = arith.constant 256 : i32
    %add3A_616 = vector.broadcast %add3A_615 : i32 to vector<16xi32>
    %add3A_617 = arith.addi %and3A_4, %add3A_616 : vector<16xi32>
    %gather3A_618 = tpu.vector_load_idx %arg5[%add3A_617] : memref<512xi32, #tpu.memory_space<vmem>>[vector<16xi32>], vector<16xi32>,
    %shift_right_arithmetic3A_619 = arith.constant 3 : i32
    %shift_right_arithmetic3A_620 = vector.broadcast %shift_right_arithmetic3A_619 : i32 to vector<16xi32>
    %shift_right_arithmetic3A_621 = arith.shrsi %gather3A_618, %shift_right_arithmetic3A_620 : vector<16xi32>
    %shift_left3A_622 = arith.constant 4 : i32
    %shift_left3A_623 = vector.broadcast %shift_left3A_622 : i32 to vector<16xi32>
    %shift_left3A_624 = arith.shli %shift_right_arithmetic3A_621, %shift_left3A_623 : vector<16xi32>
    %and3A_625 = arith.constant 7 : i32
    %and3A_626 = vector.broadcast %and3A_625 : i32 to vector<16xi32>
    %and3A_627 = arith.andi %gather3A_618, %and3A_626 : vector<16xi32>
    %add3A_628 = arith.addi %shift_left3A_624, %and3A_627 : vector<16xi32>
    %add3A_629 = arith.addi %add3A_628, %shift_left3A_8 : vector<16xi32>
    %swap3A_630 = arith.constant 4 : i32
    %swap3A_631 = arith.index_cast %swap3A_630 : i32 to index
    %swap3A_632 = arith.constant 0 : index
    %swap3A_633 = tpu.vector_load %arg6[%swap3A_631, %swap3A_632] {strides = array<i32>} : memref<8x128xi32, #tpu.memory_space<vmem>>, vector<16xi32>,
    tpu.vector_store %arg6[%swap3A_631, %swap3A_632], %add3A_629 {strides = array<i32>} : memref<8x128xi32, #tpu.memory_space<vmem>>, vector<16xi32>,
    %add3A_634 = arith.constant 264 : i32
    %add3A_635 = vector.broadcast %add3A_634 : i32 to vector<16xi32>
    %add3A_636 = arith.addi %and3A_4, %add3A_635 : vector<16xi32>
    %gather3A_637 = tpu.vector_load_idx %arg5[%add3A_636] : memref<512xi32, #tpu.memory_space<vmem>>[vector<16xi32>], vector<16xi32>,
    %shift_right_arithmetic3A_638 = arith.constant 3 : i32
    %shift_right_arithmetic3A_639 = vector.broadcast %shift_right_arithmetic3A_638 : i32 to vector<16xi32>
    %shift_right_arithmetic3A_640 = arith.shrsi %gather3A_637, %shift_right_arithmetic3A_639 : vector<16xi32>
    %shift_left3A_641 = arith.constant 4 : i32
    %shift_left3A_642 = vector.broadcast %shift_left3A_641 : i32 to vector<16xi32>
    %shift_left3A_643 = arith.shli %shift_right_arithmetic3A_640, %shift_left3A_642 : vector<16xi32>
    %and3A_644 = arith.constant 7 : i32
    %and3A_645 = vector.broadcast %and3A_644 : i32 to vector<16xi32>
    %and3A_646 = arith.andi %gather3A_637, %and3A_645 : vector<16xi32>
    %add3A_647 = arith.addi %shift_left3A_643, %and3A_646 : vector<16xi32>
    %add3A_648 = arith.addi %add3A_647, %shift_left3A_8 : vector<16xi32>
    %swap3A_649 = arith.constant 4 : i32
    %swap3A_650 = arith.index_cast %swap3A_649 : i32 to index
    %swap3A_651 = arith.constant 16 : index
    %swap3A_652 = tpu.vector_load %arg6[%swap3A_650, %swap3A_651] {strides = array<i32>} : memref<8x128xi32, #tpu.memory_space<vmem>>, vector<16xi32>,
    tpu.vector_store %arg6[%swap3A_650, %swap3A_651], %add3A_648 {strides = array<i32>} : memref<8x128xi32, #tpu.memory_space<vmem>>, vector<16xi32>,
    %add3A_653 = arith.constant 272 : i32
    %add3A_654 = vector.broadcast %add3A_653 : i32 to vector<16xi32>
    %add3A_655 = arith.addi %and3A_4, %add3A_654 : vector<16xi32>
    %gather3A_656 = tpu.vector_load_idx %arg5[%add3A_655] : memref<512xi32, #tpu.memory_space<vmem>>[vector<16xi32>], vector<16xi32>,
    %shift_right_arithmetic3A_657 = arith.constant 3 : i32
    %shift_right_arithmetic3A_658 = vector.broadcast %shift_right_arithmetic3A_657 : i32 to vector<16xi32>
    %shift_right_arithmetic3A_659 = arith.shrsi %gather3A_656, %shift_right_arithmetic3A_658 : vector<16xi32>
    %shift_left3A_660 = arith.constant 4 : i32
    %shift_left3A_661 = vector.broadcast %shift_left3A_660 : i32 to vector<16xi32>
    %shift_left3A_662 = arith.shli %shift_right_arithmetic3A_659, %shift_left3A_661 : vector<16xi32>
    %and3A_663 = arith.constant 7 : i32
    %and3A_664 = vector.broadcast %and3A_663 : i32 to vector<16xi32>
    %and3A_665 = arith.andi %gather3A_656, %and3A_664 : vector<16xi32>
    %add3A_666 = arith.addi %shift_left3A_662, %and3A_665 : vector<16xi32>
    %add3A_667 = arith.addi %add3A_666, %shift_left3A_8 : vector<16xi32>
    %swap3A_668 = arith.constant 4 : i32
    %swap3A_669 = arith.index_cast %swap3A_668 : i32 to index
    %swap3A_670 = arith.constant 32 : index
    %swap3A_671 = tpu.vector_load %arg6[%swap3A_669, %swap3A_670] {strides = array<i32>} : memref<8x128xi32, #tpu.memory_space<vmem>>, vector<16xi32>,
    tpu.vector_store %arg6[%swap3A_669, %swap3A_670], %add3A_667 {strides = array<i32>} : memref<8x128xi32, #tpu.memory_space<vmem>>, vector<16xi32>,
    %add3A_672 = arith.constant 280 : i32
    %add3A_673 = vector.broadcast %add3A_672 : i32 to vector<16xi32>
    %add3A_674 = arith.addi %and3A_4, %add3A_673 : vector<16xi32>
    %gather3A_675 = tpu.vector_load_idx %arg5[%add3A_674] : memref<512xi32, #tpu.memory_space<vmem>>[vector<16xi32>], vector<16xi32>,
    %shift_right_arithmetic3A_676 = arith.constant 3 : i32
    %shift_right_arithmetic3A_677 = vector.broadcast %shift_right_arithmetic3A_676 : i32 to vector<16xi32>
    %shift_right_arithmetic3A_678 = arith.shrsi %gather3A_675, %shift_right_arithmetic3A_677 : vector<16xi32>
    %shift_left3A_679 = arith.constant 4 : i32
    %shift_left3A_680 = vector.broadcast %shift_left3A_679 : i32 to vector<16xi32>
    %shift_left3A_681 = arith.shli %shift_right_arithmetic3A_678, %shift_left3A_680 : vector<16xi32>
    %and3A_682 = arith.constant 7 : i32
    %and3A_683 = vector.broadcast %and3A_682 : i32 to vector<16xi32>
    %and3A_684 = arith.andi %gather3A_675, %and3A_683 : vector<16xi32>
    %add3A_685 = arith.addi %shift_left3A_681, %and3A_684 : vector<16xi32>
    %add3A_686 = arith.addi %add3A_685, %shift_left3A_8 : vector<16xi32>
    %swap3A_687 = arith.constant 4 : i32
    %swap3A_688 = arith.index_cast %swap3A_687 : i32 to index
    %swap3A_689 = arith.constant 48 : index
    %swap3A_690 = tpu.vector_load %arg6[%swap3A_688, %swap3A_689] {strides = array<i32>} : memref<8x128xi32, #tpu.memory_space<vmem>>, vector<16xi32>,
    tpu.vector_store %arg6[%swap3A_688, %swap3A_689], %add3A_686 {strides = array<i32>} : memref<8x128xi32, #tpu.memory_space<vmem>>, vector<16xi32>,
    %add3A_691 = arith.constant 288 : i32
    %add3A_692 = vector.broadcast %add3A_691 : i32 to vector<16xi32>
    %add3A_693 = arith.addi %and3A_4, %add3A_692 : vector<16xi32>
    %gather3A_694 = tpu.vector_load_idx %arg5[%add3A_693] : memref<512xi32, #tpu.memory_space<vmem>>[vector<16xi32>], vector<16xi32>,
    %shift_right_arithmetic3A_695 = arith.constant 3 : i32
    %shift_right_arithmetic3A_696 = vector.broadcast %shift_right_arithmetic3A_695 : i32 to vector<16xi32>
    %shift_right_arithmetic3A_697 = arith.shrsi %gather3A_694, %shift_right_arithmetic3A_696 : vector<16xi32>
    %shift_left3A_698 = arith.constant 4 : i32
    %shift_left3A_699 = vector.broadcast %shift_left3A_698 : i32 to vector<16xi32>
    %shift_left3A_700 = arith.shli %shift_right_arithmetic3A_697, %shift_left3A_699 : vector<16xi32>
    %and3A_701 = arith.constant 7 : i32
    %and3A_702 = vector.broadcast %and3A_701 : i32 to vector<16xi32>
    %and3A_703 = arith.andi %gather3A_694, %and3A_702 : vector<16xi32>
    %add3A_704 = arith.addi %shift_left3A_700, %and3A_703 : vector<16xi32>
    %add3A_705 = arith.addi %add3A_704, %shift_left3A_8 : vector<16xi32>
    %swap3A_706 = arith.constant 4 : i32
    %swap3A_707 = arith.index_cast %swap3A_706 : i32 to index
    %swap3A_708 = arith.constant 64 : index
    %swap3A_709 = tpu.vector_load %arg6[%swap3A_707, %swap3A_708] {strides = array<i32>} : memref<8x128xi32, #tpu.memory_space<vmem>>, vector<16xi32>,
    tpu.vector_store %arg6[%swap3A_707, %swap3A_708], %add3A_705 {strides = array<i32>} : memref<8x128xi32, #tpu.memory_space<vmem>>, vector<16xi32>,
    %add3A_710 = arith.constant 296 : i32
    %add3A_711 = vector.broadcast %add3A_710 : i32 to vector<16xi32>
    %add3A_712 = arith.addi %and3A_4, %add3A_711 : vector<16xi32>
    %gather3A_713 = tpu.vector_load_idx %arg5[%add3A_712] : memref<512xi32, #tpu.memory_space<vmem>>[vector<16xi32>], vector<16xi32>,
    %shift_right_arithmetic3A_714 = arith.constant 3 : i32
    %shift_right_arithmetic3A_715 = vector.broadcast %shift_right_arithmetic3A_714 : i32 to vector<16xi32>
    %shift_right_arithmetic3A_716 = arith.shrsi %gather3A_713, %shift_right_arithmetic3A_715 : vector<16xi32>
    %shift_left3A_717 = arith.constant 4 : i32
    %shift_left3A_718 = vector.broadcast %shift_left3A_717 : i32 to vector<16xi32>
    %shift_left3A_719 = arith.shli %shift_right_arithmetic3A_716, %shift_left3A_718 : vector<16xi32>
    %and3A_720 = arith.constant 7 : i32
    %and3A_721 = vector.broadcast %and3A_720 : i32 to vector<16xi32>
    %and3A_722 = arith.andi %gather3A_713, %and3A_721 : vector<16xi32>
    %add3A_723 = arith.addi %shift_left3A_719, %and3A_722 : vector<16xi32>
    %add3A_724 = arith.addi %add3A_723, %shift_left3A_8 : vector<16xi32>
    %swap3A_725 = arith.constant 4 : i32
    %swap3A_726 = arith.index_cast %swap3A_725 : i32 to index
    %swap3A_727 = arith.constant 80 : index
    %swap3A_728 = tpu.vector_load %arg6[%swap3A_726, %swap3A_727] {strides = array<i32>} : memref<8x128xi32, #tpu.memory_space<vmem>>, vector<16xi32>,
    tpu.vector_store %arg6[%swap3A_726, %swap3A_727], %add3A_724 {strides = array<i32>} : memref<8x128xi32, #tpu.memory_space<vmem>>, vector<16xi32>,
    %add3A_729 = arith.constant 304 : i32
    %add3A_730 = vector.broadcast %add3A_729 : i32 to vector<16xi32>
    %add3A_731 = arith.addi %and3A_4, %add3A_730 : vector<16xi32>
    %gather3A_732 = tpu.vector_load_idx %arg5[%add3A_731] : memref<512xi32, #tpu.memory_space<vmem>>[vector<16xi32>], vector<16xi32>,
    %shift_right_arithmetic3A_733 = arith.constant 3 : i32
    %shift_right_arithmetic3A_734 = vector.broadcast %shift_right_arithmetic3A_733 : i32 to vector<16xi32>
    %shift_right_arithmetic3A_735 = arith.shrsi %gather3A_732, %shift_right_arithmetic3A_734 : vector<16xi32>
    %shift_left3A_736 = arith.constant 4 : i32
    %shift_left3A_737 = vector.broadcast %shift_left3A_736 : i32 to vector<16xi32>
    %shift_left3A_738 = arith.shli %shift_right_arithmetic3A_735, %shift_left3A_737 : vector<16xi32>
    %and3A_739 = arith.constant 7 : i32
    %and3A_740 = vector.broadcast %and3A_739 : i32 to vector<16xi32>
    %and3A_741 = arith.andi %gather3A_732, %and3A_740 : vector<16xi32>
    %add3A_742 = arith.addi %shift_left3A_738, %and3A_741 : vector<16xi32>
    %add3A_743 = arith.addi %add3A_742, %shift_left3A_8 : vector<16xi32>
    %swap3A_744 = arith.constant 4 : i32
    %swap3A_745 = arith.index_cast %swap3A_744 : i32 to index
    %swap3A_746 = arith.constant 96 : index
    %swap3A_747 = tpu.vector_load %arg6[%swap3A_745, %swap3A_746] {strides = array<i32>} : memref<8x128xi32, #tpu.memory_space<vmem>>, vector<16xi32>,
    tpu.vector_store %arg6[%swap3A_745, %swap3A_746], %add3A_743 {strides = array<i32>} : memref<8x128xi32, #tpu.memory_space<vmem>>, vector<16xi32>,
    %add3A_748 = arith.constant 312 : i32
    %add3A_749 = vector.broadcast %add3A_748 : i32 to vector<16xi32>
    %add3A_750 = arith.addi %and3A_4, %add3A_749 : vector<16xi32>
    %gather3A_751 = tpu.vector_load_idx %arg5[%add3A_750] : memref<512xi32, #tpu.memory_space<vmem>>[vector<16xi32>], vector<16xi32>,
    %shift_right_arithmetic3A_752 = arith.constant 3 : i32
    %shift_right_arithmetic3A_753 = vector.broadcast %shift_right_arithmetic3A_752 : i32 to vector<16xi32>
    %shift_right_arithmetic3A_754 = arith.shrsi %gather3A_751, %shift_right_arithmetic3A_753 : vector<16xi32>
    %shift_left3A_755 = arith.constant 4 : i32
    %shift_left3A_756 = vector.broadcast %shift_left3A_755 : i32 to vector<16xi32>
    %shift_left3A_757 = arith.shli %shift_right_arithmetic3A_754, %shift_left3A_756 : vector<16xi32>
    %and3A_758 = arith.constant 7 : i32
    %and3A_759 = vector.broadcast %and3A_758 : i32 to vector<16xi32>
    %and3A_760 = arith.andi %gather3A_751, %and3A_759 : vector<16xi32>
    %add3A_761 = arith.addi %shift_left3A_757, %and3A_760 : vector<16xi32>
    %add3A_762 = arith.addi %add3A_761, %shift_left3A_8 : vector<16xi32>
    %swap3A_763 = arith.constant 4 : i32
    %swap3A_764 = arith.index_cast %swap3A_763 : i32 to index
    %swap3A_765 = arith.constant 112 : index
    %swap3A_766 = tpu.vector_load %arg6[%swap3A_764, %swap3A_765] {strides = array<i32>} : memref<8x128xi32, #tpu.memory_space<vmem>>, vector<16xi32>,
    tpu.vector_store %arg6[%swap3A_764, %swap3A_765], %add3A_762 {strides = array<i32>} : memref<8x128xi32, #tpu.memory_space<vmem>>, vector<16xi32>,
    %add3A_767 = arith.constant 320 : i32
    %add3A_768 = vector.broadcast %add3A_767 : i32 to vector<16xi32>
    %add3A_769 = arith.addi %and3A_4, %add3A_768 : vector<16xi32>
    %gather3A_770 = tpu.vector_load_idx %arg5[%add3A_769] : memref<512xi32, #tpu.memory_space<vmem>>[vector<16xi32>], vector<16xi32>,
    %shift_right_arithmetic3A_771 = arith.constant 3 : i32
    %shift_right_arithmetic3A_772 = vector.broadcast %shift_right_arithmetic3A_771 : i32 to vector<16xi32>
    %shift_right_arithmetic3A_773 = arith.shrsi %gather3A_770, %shift_right_arithmetic3A_772 : vector<16xi32>
    %shift_left3A_774 = arith.constant 4 : i32
    %shift_left3A_775 = vector.broadcast %shift_left3A_774 : i32 to vector<16xi32>
    %shift_left3A_776 = arith.shli %shift_right_arithmetic3A_773, %shift_left3A_775 : vector<16xi32>
    %and3A_777 = arith.constant 7 : i32
    %and3A_778 = vector.broadcast %and3A_777 : i32 to vector<16xi32>
    %and3A_779 = arith.andi %gather3A_770, %and3A_778 : vector<16xi32>
    %add3A_780 = arith.addi %shift_left3A_776, %and3A_779 : vector<16xi32>
    %add3A_781 = arith.addi %add3A_780, %shift_left3A_8 : vector<16xi32>
    %swap3A_782 = arith.constant 5 : i32
    %swap3A_783 = arith.index_cast %swap3A_782 : i32 to index
    %swap3A_784 = arith.constant 0 : index
    %swap3A_785 = tpu.vector_load %arg6[%swap3A_783, %swap3A_784] {strides = array<i32>} : memref<8x128xi32, #tpu.memory_space<vmem>>, vector<16xi32>,
    tpu.vector_store %arg6[%swap3A_783, %swap3A_784], %add3A_781 {strides = array<i32>} : memref<8x128xi32, #tpu.memory_space<vmem>>, vector<16xi32>,
    %add3A_786 = arith.constant 328 : i32
    %add3A_787 = vector.broadcast %add3A_786 : i32 to vector<16xi32>
    %add3A_788 = arith.addi %and3A_4, %add3A_787 : vector<16xi32>
    %gather3A_789 = tpu.vector_load_idx %arg5[%add3A_788] : memref<512xi32, #tpu.memory_space<vmem>>[vector<16xi32>], vector<16xi32>,
    %shift_right_arithmetic3A_790 = arith.constant 3 : i32
    %shift_right_arithmetic3A_791 = vector.broadcast %shift_right_arithmetic3A_790 : i32 to vector<16xi32>
    %shift_right_arithmetic3A_792 = arith.shrsi %gather3A_789, %shift_right_arithmetic3A_791 : vector<16xi32>
    %shift_left3A_793 = arith.constant 4 : i32
    %shift_left3A_794 = vector.broadcast %shift_left3A_793 : i32 to vector<16xi32>
    %shift_left3A_795 = arith.shli %shift_right_arithmetic3A_792, %shift_left3A_794 : vector<16xi32>
    %and3A_796 = arith.constant 7 : i32
    %and3A_797 = vector.broadcast %and3A_796 : i32 to vector<16xi32>
    %and3A_798 = arith.andi %gather3A_789, %and3A_797 : vector<16xi32>
    %add3A_799 = arith.addi %shift_left3A_795, %and3A_798 : vector<16xi32>
    %add3A_800 = arith.addi %add3A_799, %shift_left3A_8 : vector<16xi32>
    %swap3A_801 = arith.constant 5 : i32
    %swap3A_802 = arith.index_cast %swap3A_801 : i32 to index
    %swap3A_803 = arith.constant 16 : index
    %swap3A_804 = tpu.vector_load %arg6[%swap3A_802, %swap3A_803] {strides = array<i32>} : memref<8x128xi32, #tpu.memory_space<vmem>>, vector<16xi32>,
    tpu.vector_store %arg6[%swap3A_802, %swap3A_803], %add3A_800 {strides = array<i32>} : memref<8x128xi32, #tpu.memory_space<vmem>>, vector<16xi32>,
    %add3A_805 = arith.constant 336 : i32
    %add3A_806 = vector.broadcast %add3A_805 : i32 to vector<16xi32>
    %add3A_807 = arith.addi %and3A_4, %add3A_806 : vector<16xi32>
    %gather3A_808 = tpu.vector_load_idx %arg5[%add3A_807] : memref<512xi32, #tpu.memory_space<vmem>>[vector<16xi32>], vector<16xi32>,
    %shift_right_arithmetic3A_809 = arith.constant 3 : i32
    %shift_right_arithmetic3A_810 = vector.broadcast %shift_right_arithmetic3A_809 : i32 to vector<16xi32>
    %shift_right_arithmetic3A_811 = arith.shrsi %gather3A_808, %shift_right_arithmetic3A_810 : vector<16xi32>
    %shift_left3A_812 = arith.constant 4 : i32
    %shift_left3A_813 = vector.broadcast %shift_left3A_812 : i32 to vector<16xi32>
    %shift_left3A_814 = arith.shli %shift_right_arithmetic3A_811, %shift_left3A_813 : vector<16xi32>
    %and3A_815 = arith.constant 7 : i32
    %and3A_816 = vector.broadcast %and3A_815 : i32 to vector<16xi32>
    %and3A_817 = arith.andi %gather3A_808, %and3A_816 : vector<16xi32>
    %add3A_818 = arith.addi %shift_left3A_814, %and3A_817 : vector<16xi32>
    %add3A_819 = arith.addi %add3A_818, %shift_left3A_8 : vector<16xi32>
    %swap3A_820 = arith.constant 5 : i32
    %swap3A_821 = arith.index_cast %swap3A_820 : i32 to index
    %swap3A_822 = arith.constant 32 : index
    %swap3A_823 = tpu.vector_load %arg6[%swap3A_821, %swap3A_822] {strides = array<i32>} : memref<8x128xi32, #tpu.memory_space<vmem>>, vector<16xi32>,
    tpu.vector_store %arg6[%swap3A_821, %swap3A_822], %add3A_819 {strides = array<i32>} : memref<8x128xi32, #tpu.memory_space<vmem>>, vector<16xi32>,
    %add3A_824 = arith.constant 344 : i32
    %add3A_825 = vector.broadcast %add3A_824 : i32 to vector<16xi32>
    %add3A_826 = arith.addi %and3A_4, %add3A_825 : vector<16xi32>
    %gather3A_827 = tpu.vector_load_idx %arg5[%add3A_826] : memref<512xi32, #tpu.memory_space<vmem>>[vector<16xi32>], vector<16xi32>,
    %shift_right_arithmetic3A_828 = arith.constant 3 : i32
    %shift_right_arithmetic3A_829 = vector.broadcast %shift_right_arithmetic3A_828 : i32 to vector<16xi32>
    %shift_right_arithmetic3A_830 = arith.shrsi %gather3A_827, %shift_right_arithmetic3A_829 : vector<16xi32>
    %shift_left3A_831 = arith.constant 4 : i32
    %shift_left3A_832 = vector.broadcast %shift_left3A_831 : i32 to vector<16xi32>
    %shift_left3A_833 = arith.shli %shift_right_arithmetic3A_830, %shift_left3A_832 : vector<16xi32>
    %and3A_834 = arith.constant 7 : i32
    %and3A_835 = vector.broadcast %and3A_834 : i32 to vector<16xi32>
    %and3A_836 = arith.andi %gather3A_827, %and3A_835 : vector<16xi32>
    %add3A_837 = arith.addi %shift_left3A_833, %and3A_836 : vector<16xi32>
    %add3A_838 = arith.addi %add3A_837, %shift_left3A_8 : vector<16xi32>
    %swap3A_839 = arith.constant 5 : i32
    %swap3A_840 = arith.index_cast %swap3A_839 : i32 to index
    %swap3A_841 = arith.constant 48 : index
    %swap3A_842 = tpu.vector_load %arg6[%swap3A_840, %swap3A_841] {strides = array<i32>} : memref<8x128xi32, #tpu.memory_space<vmem>>, vector<16xi32>,
    tpu.vector_store %arg6[%swap3A_840, %swap3A_841], %add3A_838 {strides = array<i32>} : memref<8x128xi32, #tpu.memory_space<vmem>>, vector<16xi32>,
    %add3A_843 = arith.constant 352 : i32
    %add3A_844 = vector.broadcast %add3A_843 : i32 to vector<16xi32>
    %add3A_845 = arith.addi %and3A_4, %add3A_844 : vector<16xi32>
    %gather3A_846 = tpu.vector_load_idx %arg5[%add3A_845] : memref<512xi32, #tpu.memory_space<vmem>>[vector<16xi32>], vector<16xi32>,
    %shift_right_arithmetic3A_847 = arith.constant 3 : i32
    %shift_right_arithmetic3A_848 = vector.broadcast %shift_right_arithmetic3A_847 : i32 to vector<16xi32>
    %shift_right_arithmetic3A_849 = arith.shrsi %gather3A_846, %shift_right_arithmetic3A_848 : vector<16xi32>
    %shift_left3A_850 = arith.constant 4 : i32
    %shift_left3A_851 = vector.broadcast %shift_left3A_850 : i32 to vector<16xi32>
    %shift_left3A_852 = arith.shli %shift_right_arithmetic3A_849, %shift_left3A_851 : vector<16xi32>
    %and3A_853 = arith.constant 7 : i32
    %and3A_854 = vector.broadcast %and3A_853 : i32 to vector<16xi32>
    %and3A_855 = arith.andi %gather3A_846, %and3A_854 : vector<16xi32>
    %add3A_856 = arith.addi %shift_left3A_852, %and3A_855 : vector<16xi32>
    %add3A_857 = arith.addi %add3A_856, %shift_left3A_8 : vector<16xi32>
    %swap3A_858 = arith.constant 5 : i32
    %swap3A_859 = arith.index_cast %swap3A_858 : i32 to index
    %swap3A_860 = arith.constant 64 : index
    %swap3A_861 = tpu.vector_load %arg6[%swap3A_859, %swap3A_860] {strides = array<i32>} : memref<8x128xi32, #tpu.memory_space<vmem>>, vector<16xi32>,
    tpu.vector_store %arg6[%swap3A_859, %swap3A_860], %add3A_857 {strides = array<i32>} : memref<8x128xi32, #tpu.memory_space<vmem>>, vector<16xi32>,
    %add3A_862 = arith.constant 360 : i32
    %add3A_863 = vector.broadcast %add3A_862 : i32 to vector<16xi32>
    %add3A_864 = arith.addi %and3A_4, %add3A_863 : vector<16xi32>
    %gather3A_865 = tpu.vector_load_idx %arg5[%add3A_864] : memref<512xi32, #tpu.memory_space<vmem>>[vector<16xi32>], vector<16xi32>,
    %shift_right_arithmetic3A_866 = arith.constant 3 : i32
    %shift_right_arithmetic3A_867 = vector.broadcast %shift_right_arithmetic3A_866 : i32 to vector<16xi32>
    %shift_right_arithmetic3A_868 = arith.shrsi %gather3A_865, %shift_right_arithmetic3A_867 : vector<16xi32>
    %shift_left3A_869 = arith.constant 4 : i32
    %shift_left3A_870 = vector.broadcast %shift_left3A_869 : i32 to vector<16xi32>
    %shift_left3A_871 = arith.shli %shift_right_arithmetic3A_868, %shift_left3A_870 : vector<16xi32>
    %and3A_872 = arith.constant 7 : i32
    %and3A_873 = vector.broadcast %and3A_872 : i32 to vector<16xi32>
    %and3A_874 = arith.andi %gather3A_865, %and3A_873 : vector<16xi32>
    %add3A_875 = arith.addi %shift_left3A_871, %and3A_874 : vector<16xi32>
    %add3A_876 = arith.addi %add3A_875, %shift_left3A_8 : vector<16xi32>
    %swap3A_877 = arith.constant 5 : i32
    %swap3A_878 = arith.index_cast %swap3A_877 : i32 to index
    %swap3A_879 = arith.constant 80 : index
    %swap3A_880 = tpu.vector_load %arg6[%swap3A_878, %swap3A_879] {strides = array<i32>} : memref<8x128xi32, #tpu.memory_space<vmem>>, vector<16xi32>,
    tpu.vector_store %arg6[%swap3A_878, %swap3A_879], %add3A_876 {strides = array<i32>} : memref<8x128xi32, #tpu.memory_space<vmem>>, vector<16xi32>,
    %add3A_881 = arith.constant 368 : i32
    %add3A_882 = vector.broadcast %add3A_881 : i32 to vector<16xi32>
    %add3A_883 = arith.addi %and3A_4, %add3A_882 : vector<16xi32>
    %gather3A_884 = tpu.vector_load_idx %arg5[%add3A_883] : memref<512xi32, #tpu.memory_space<vmem>>[vector<16xi32>], vector<16xi32>,
    %shift_right_arithmetic3A_885 = arith.constant 3 : i32
    %shift_right_arithmetic3A_886 = vector.broadcast %shift_right_arithmetic3A_885 : i32 to vector<16xi32>
    %shift_right_arithmetic3A_887 = arith.shrsi %gather3A_884, %shift_right_arithmetic3A_886 : vector<16xi32>
    %shift_left3A_888 = arith.constant 4 : i32
    %shift_left3A_889 = vector.broadcast %shift_left3A_888 : i32 to vector<16xi32>
    %shift_left3A_890 = arith.shli %shift_right_arithmetic3A_887, %shift_left3A_889 : vector<16xi32>
    %and3A_891 = arith.constant 7 : i32
    %and3A_892 = vector.broadcast %and3A_891 : i32 to vector<16xi32>
    %and3A_893 = arith.andi %gather3A_884, %and3A_892 : vector<16xi32>
    %add3A_894 = arith.addi %shift_left3A_890, %and3A_893 : vector<16xi32>
    %add3A_895 = arith.addi %add3A_894, %shift_left3A_8 : vector<16xi32>
    %swap3A_896 = arith.constant 5 : i32
    %swap3A_897 = arith.index_cast %swap3A_896 : i32 to index
    %swap3A_898 = arith.constant 96 : index
    %swap3A_899 = tpu.vector_load %arg6[%swap3A_897, %swap3A_898] {strides = array<i32>} : memref<8x128xi32, #tpu.memory_space<vmem>>, vector<16xi32>,
    tpu.vector_store %arg6[%swap3A_897, %swap3A_898], %add3A_895 {strides = array<i32>} : memref<8x128xi32, #tpu.memory_space<vmem>>, vector<16xi32>,
    %add3A_900 = arith.constant 376 : i32
    %add3A_901 = vector.broadcast %add3A_900 : i32 to vector<16xi32>
    %add3A_902 = arith.addi %and3A_4, %add3A_901 : vector<16xi32>
    %gather3A_903 = tpu.vector_load_idx %arg5[%add3A_902] : memref<512xi32, #tpu.memory_space<vmem>>[vector<16xi32>], vector<16xi32>,
    %shift_right_arithmetic3A_904 = arith.constant 3 : i32
    %shift_right_arithmetic3A_905 = vector.broadcast %shift_right_arithmetic3A_904 : i32 to vector<16xi32>
    %shift_right_arithmetic3A_906 = arith.shrsi %gather3A_903, %shift_right_arithmetic3A_905 : vector<16xi32>
    %shift_left3A_907 = arith.constant 4 : i32
    %shift_left3A_908 = vector.broadcast %shift_left3A_907 : i32 to vector<16xi32>
    %shift_left3A_909 = arith.shli %shift_right_arithmetic3A_906, %shift_left3A_908 : vector<16xi32>
    %and3A_910 = arith.constant 7 : i32
    %and3A_911 = vector.broadcast %and3A_910 : i32 to vector<16xi32>
    %and3A_912 = arith.andi %gather3A_903, %and3A_911 : vector<16xi32>
    %add3A_913 = arith.addi %shift_left3A_909, %and3A_912 : vector<16xi32>
    %add3A_914 = arith.addi %add3A_913, %shift_left3A_8 : vector<16xi32>
    %swap3A_915 = arith.constant 5 : i32
    %swap3A_916 = arith.index_cast %swap3A_915 : i32 to index
    %swap3A_917 = arith.constant 112 : index
    %swap3A_918 = tpu.vector_load %arg6[%swap3A_916, %swap3A_917] {strides = array<i32>} : memref<8x128xi32, #tpu.memory_space<vmem>>, vector<16xi32>,
    tpu.vector_store %arg6[%swap3A_916, %swap3A_917], %add3A_914 {strides = array<i32>} : memref<8x128xi32, #tpu.memory_space<vmem>>, vector<16xi32>,
    %add3A_919 = arith.constant 384 : i32
    %add3A_920 = vector.broadcast %add3A_919 : i32 to vector<16xi32>
    %add3A_921 = arith.addi %and3A_4, %add3A_920 : vector<16xi32>
    %gather3A_922 = tpu.vector_load_idx %arg5[%add3A_921] : memref<512xi32, #tpu.memory_space<vmem>>[vector<16xi32>], vector<16xi32>,
    %shift_right_arithmetic3A_923 = arith.constant 3 : i32
    %shift_right_arithmetic3A_924 = vector.broadcast %shift_right_arithmetic3A_923 : i32 to vector<16xi32>
    %shift_right_arithmetic3A_925 = arith.shrsi %gather3A_922, %shift_right_arithmetic3A_924 : vector<16xi32>
    %shift_left3A_926 = arith.constant 4 : i32
    %shift_left3A_927 = vector.broadcast %shift_left3A_926 : i32 to vector<16xi32>
    %shift_left3A_928 = arith.shli %shift_right_arithmetic3A_925, %shift_left3A_927 : vector<16xi32>
    %and3A_929 = arith.constant 7 : i32
    %and3A_930 = vector.broadcast %and3A_929 : i32 to vector<16xi32>
    %and3A_931 = arith.andi %gather3A_922, %and3A_930 : vector<16xi32>
    %add3A_932 = arith.addi %shift_left3A_928, %and3A_931 : vector<16xi32>
    %add3A_933 = arith.addi %add3A_932, %shift_left3A_8 : vector<16xi32>
    %swap3A_934 = arith.constant 6 : i32
    %swap3A_935 = arith.index_cast %swap3A_934 : i32 to index
    %swap3A_936 = arith.constant 0 : index
    %swap3A_937 = tpu.vector_load %arg6[%swap3A_935, %swap3A_936] {strides = array<i32>} : memref<8x128xi32, #tpu.memory_space<vmem>>, vector<16xi32>,
    tpu.vector_store %arg6[%swap3A_935, %swap3A_936], %add3A_933 {strides = array<i32>} : memref<8x128xi32, #tpu.memory_space<vmem>>, vector<16xi32>,
    %add3A_938 = arith.constant 392 : i32
    %add3A_939 = vector.broadcast %add3A_938 : i32 to vector<16xi32>
    %add3A_940 = arith.addi %and3A_4, %add3A_939 : vector<16xi32>
    %gather3A_941 = tpu.vector_load_idx %arg5[%add3A_940] : memref<512xi32, #tpu.memory_space<vmem>>[vector<16xi32>], vector<16xi32>,
    %shift_right_arithmetic3A_942 = arith.constant 3 : i32
    %shift_right_arithmetic3A_943 = vector.broadcast %shift_right_arithmetic3A_942 : i32 to vector<16xi32>
    %shift_right_arithmetic3A_944 = arith.shrsi %gather3A_941, %shift_right_arithmetic3A_943 : vector<16xi32>
    %shift_left3A_945 = arith.constant 4 : i32
    %shift_left3A_946 = vector.broadcast %shift_left3A_945 : i32 to vector<16xi32>
    %shift_left3A_947 = arith.shli %shift_right_arithmetic3A_944, %shift_left3A_946 : vector<16xi32>
    %and3A_948 = arith.constant 7 : i32
    %and3A_949 = vector.broadcast %and3A_948 : i32 to vector<16xi32>
    %and3A_950 = arith.andi %gather3A_941, %and3A_949 : vector<16xi32>
    %add3A_951 = arith.addi %shift_left3A_947, %and3A_950 : vector<16xi32>
    %add3A_952 = arith.addi %add3A_951, %shift_left3A_8 : vector<16xi32>
    %swap3A_953 = arith.constant 6 : i32
    %swap3A_954 = arith.index_cast %swap3A_953 : i32 to index
    %swap3A_955 = arith.constant 16 : index
    %swap3A_956 = tpu.vector_load %arg6[%swap3A_954, %swap3A_955] {strides = array<i32>} : memref<8x128xi32, #tpu.memory_space<vmem>>, vector<16xi32>,
    tpu.vector_store %arg6[%swap3A_954, %swap3A_955], %add3A_952 {strides = array<i32>} : memref<8x128xi32, #tpu.memory_space<vmem>>, vector<16xi32>,
    %add3A_957 = arith.constant 400 : i32
    %add3A_958 = vector.broadcast %add3A_957 : i32 to vector<16xi32>
    %add3A_959 = arith.addi %and3A_4, %add3A_958 : vector<16xi32>
    %gather3A_960 = tpu.vector_load_idx %arg5[%add3A_959] : memref<512xi32, #tpu.memory_space<vmem>>[vector<16xi32>], vector<16xi32>,
    %shift_right_arithmetic3A_961 = arith.constant 3 : i32
    %shift_right_arithmetic3A_962 = vector.broadcast %shift_right_arithmetic3A_961 : i32 to vector<16xi32>
    %shift_right_arithmetic3A_963 = arith.shrsi %gather3A_960, %shift_right_arithmetic3A_962 : vector<16xi32>
    %shift_left3A_964 = arith.constant 4 : i32
    %shift_left3A_965 = vector.broadcast %shift_left3A_964 : i32 to vector<16xi32>
    %shift_left3A_966 = arith.shli %shift_right_arithmetic3A_963, %shift_left3A_965 : vector<16xi32>
    %and3A_967 = arith.constant 7 : i32
    %and3A_968 = vector.broadcast %and3A_967 : i32 to vector<16xi32>
    %and3A_969 = arith.andi %gather3A_960, %and3A_968 : vector<16xi32>
    %add3A_970 = arith.addi %shift_left3A_966, %and3A_969 : vector<16xi32>
    %add3A_971 = arith.addi %add3A_970, %shift_left3A_8 : vector<16xi32>
    %swap3A_972 = arith.constant 6 : i32
    %swap3A_973 = arith.index_cast %swap3A_972 : i32 to index
    %swap3A_974 = arith.constant 32 : index
    %swap3A_975 = tpu.vector_load %arg6[%swap3A_973, %swap3A_974] {strides = array<i32>} : memref<8x128xi32, #tpu.memory_space<vmem>>, vector<16xi32>,
    tpu.vector_store %arg6[%swap3A_973, %swap3A_974], %add3A_971 {strides = array<i32>} : memref<8x128xi32, #tpu.memory_space<vmem>>, vector<16xi32>,
    %add3A_976 = arith.constant 408 : i32
    %add3A_977 = vector.broadcast %add3A_976 : i32 to vector<16xi32>
    %add3A_978 = arith.addi %and3A_4, %add3A_977 : vector<16xi32>
    %gather3A_979 = tpu.vector_load_idx %arg5[%add3A_978] : memref<512xi32, #tpu.memory_space<vmem>>[vector<16xi32>], vector<16xi32>,
    %shift_right_arithmetic3A_980 = arith.constant 3 : i32
    %shift_right_arithmetic3A_981 = vector.broadcast %shift_right_arithmetic3A_980 : i32 to vector<16xi32>
    %shift_right_arithmetic3A_982 = arith.shrsi %gather3A_979, %shift_right_arithmetic3A_981 : vector<16xi32>
    %shift_left3A_983 = arith.constant 4 : i32
    %shift_left3A_984 = vector.broadcast %shift_left3A_983 : i32 to vector<16xi32>
    %shift_left3A_985 = arith.shli %shift_right_arithmetic3A_982, %shift_left3A_984 : vector<16xi32>
    %and3A_986 = arith.constant 7 : i32
    %and3A_987 = vector.broadcast %and3A_986 : i32 to vector<16xi32>
    %and3A_988 = arith.andi %gather3A_979, %and3A_987 : vector<16xi32>
    %add3A_989 = arith.addi %shift_left3A_985, %and3A_988 : vector<16xi32>
    %add3A_990 = arith.addi %add3A_989, %shift_left3A_8 : vector<16xi32>
    %swap3A_991 = arith.constant 6 : i32
    %swap3A_992 = arith.index_cast %swap3A_991 : i32 to index
    %swap3A_993 = arith.constant 48 : index
    %swap3A_994 = tpu.vector_load %arg6[%swap3A_992, %swap3A_993] {strides = array<i32>} : memref<8x128xi32, #tpu.memory_space<vmem>>, vector<16xi32>,
    tpu.vector_store %arg6[%swap3A_992, %swap3A_993], %add3A_990 {strides = array<i32>} : memref<8x128xi32, #tpu.memory_space<vmem>>, vector<16xi32>,
    %add3A_995 = arith.constant 416 : i32
    %add3A_996 = vector.broadcast %add3A_995 : i32 to vector<16xi32>
    %add3A_997 = arith.addi %and3A_4, %add3A_996 : vector<16xi32>
    %gather3A_998 = tpu.vector_load_idx %arg5[%add3A_997] : memref<512xi32, #tpu.memory_space<vmem>>[vector<16xi32>], vector<16xi32>,
    %shift_right_arithmetic3A_999 = arith.constant 3 : i32
    %shift_right_arithmetic3A_1000 = vector.broadcast %shift_right_arithmetic3A_999 : i32 to vector<16xi32>
    %shift_right_arithmetic3A_1001 = arith.shrsi %gather3A_998, %shift_right_arithmetic3A_1000 : vector<16xi32>
    %shift_left3A_1002 = arith.constant 4 : i32
    %shift_left3A_1003 = vector.broadcast %shift_left3A_1002 : i32 to vector<16xi32>
    %shift_left3A_1004 = arith.shli %shift_right_arithmetic3A_1001, %shift_left3A_1003 : vector<16xi32>
    %and3A_1005 = arith.constant 7 : i32
    %and3A_1006 = vector.broadcast %and3A_1005 : i32 to vector<16xi32>
    %and3A_1007 = arith.andi %gather3A_998, %and3A_1006 : vector<16xi32>
    %add3A_1008 = arith.addi %shift_left3A_1004, %and3A_1007 : vector<16xi32>
    %add3A_1009 = arith.addi %add3A_1008, %shift_left3A_8 : vector<16xi32>
    %swap3A_1010 = arith.constant 6 : i32
    %swap3A_1011 = arith.index_cast %swap3A_1010 : i32 to index
    %swap3A_1012 = arith.constant 64 : index
    %swap3A_1013 = tpu.vector_load %arg6[%swap3A_1011, %swap3A_1012] {strides = array<i32>} : memref<8x128xi32, #tpu.memory_space<vmem>>, vector<16xi32>,
    tpu.vector_store %arg6[%swap3A_1011, %swap3A_1012], %add3A_1009 {strides = array<i32>} : memref<8x128xi32, #tpu.memory_space<vmem>>, vector<16xi32>,
    %add3A_1014 = arith.constant 424 : i32
    %add3A_1015 = vector.broadcast %add3A_1014 : i32 to vector<16xi32>
    %add3A_1016 = arith.addi %and3A_4, %add3A_1015 : vector<16xi32>
    %gather3A_1017 = tpu.vector_load_idx %arg5[%add3A_1016] : memref<512xi32, #tpu.memory_space<vmem>>[vector<16xi32>], vector<16xi32>,
    %shift_right_arithmetic3A_1018 = arith.constant 3 : i32
    %shift_right_arithmetic3A_1019 = vector.broadcast %shift_right_arithmetic3A_1018 : i32 to vector<16xi32>
    %shift_right_arithmetic3A_1020 = arith.shrsi %gather3A_1017, %shift_right_arithmetic3A_1019 : vector<16xi32>
    %shift_left3A_1021 = arith.constant 4 : i32
    %shift_left3A_1022 = vector.broadcast %shift_left3A_1021 : i32 to vector<16xi32>
    %shift_left3A_1023 = arith.shli %shift_right_arithmetic3A_1020, %shift_left3A_1022 : vector<16xi32>
    %and3A_1024 = arith.constant 7 : i32
    %and3A_1025 = vector.broadcast %and3A_1024 : i32 to vector<16xi32>
    %and3A_1026 = arith.andi %gather3A_1017, %and3A_1025 : vector<16xi32>
    %add3A_1027 = arith.addi %shift_left3A_1023, %and3A_1026 : vector<16xi32>
    %add3A_1028 = arith.addi %add3A_1027, %shift_left3A_8 : vector<16xi32>
    %swap3A_1029 = arith.constant 6 : i32
    %swap3A_1030 = arith.index_cast %swap3A_1029 : i32 to index
    %swap3A_1031 = arith.constant 80 : index
    %swap3A_1032 = tpu.vector_load %arg6[%swap3A_1030, %swap3A_1031] {strides = array<i32>} : memref<8x128xi32, #tpu.memory_space<vmem>>, vector<16xi32>,
    tpu.vector_store %arg6[%swap3A_1030, %swap3A_1031], %add3A_1028 {strides = array<i32>} : memref<8x128xi32, #tpu.memory_space<vmem>>, vector<16xi32>,
    %add3A_1033 = arith.constant 432 : i32
    %add3A_1034 = vector.broadcast %add3A_1033 : i32 to vector<16xi32>
    %add3A_1035 = arith.addi %and3A_4, %add3A_1034 : vector<16xi32>
    %gather3A_1036 = tpu.vector_load_idx %arg5[%add3A_1035] : memref<512xi32, #tpu.memory_space<vmem>>[vector<16xi32>], vector<16xi32>,
    %shift_right_arithmetic3A_1037 = arith.constant 3 : i32
    %shift_right_arithmetic3A_1038 = vector.broadcast %shift_right_arithmetic3A_1037 : i32 to vector<16xi32>
    %shift_right_arithmetic3A_1039 = arith.shrsi %gather3A_1036, %shift_right_arithmetic3A_1038 : vector<16xi32>
    %shift_left3A_1040 = arith.constant 4 : i32
    %shift_left3A_1041 = vector.broadcast %shift_left3A_1040 : i32 to vector<16xi32>
    %shift_left3A_1042 = arith.shli %shift_right_arithmetic3A_1039, %shift_left3A_1041 : vector<16xi32>
    %and3A_1043 = arith.constant 7 : i32
    %and3A_1044 = vector.broadcast %and3A_1043 : i32 to vector<16xi32>
    %and3A_1045 = arith.andi %gather3A_1036, %and3A_1044 : vector<16xi32>
    %add3A_1046 = arith.addi %shift_left3A_1042, %and3A_1045 : vector<16xi32>
    %add3A_1047 = arith.addi %add3A_1046, %shift_left3A_8 : vector<16xi32>
    %swap3A_1048 = arith.constant 6 : i32
    %swap3A_1049 = arith.index_cast %swap3A_1048 : i32 to index
    %swap3A_1050 = arith.constant 96 : index
    %swap3A_1051 = tpu.vector_load %arg6[%swap3A_1049, %swap3A_1050] {strides = array<i32>} : memref<8x128xi32, #tpu.memory_space<vmem>>, vector<16xi32>,
    tpu.vector_store %arg6[%swap3A_1049, %swap3A_1050], %add3A_1047 {strides = array<i32>} : memref<8x128xi32, #tpu.memory_space<vmem>>, vector<16xi32>,
    %add3A_1052 = arith.constant 440 : i32
    %add3A_1053 = vector.broadcast %add3A_1052 : i32 to vector<16xi32>
    %add3A_1054 = arith.addi %and3A_4, %add3A_1053 : vector<16xi32>
    %gather3A_1055 = tpu.vector_load_idx %arg5[%add3A_1054] : memref<512xi32, #tpu.memory_space<vmem>>[vector<16xi32>], vector<16xi32>,
    %shift_right_arithmetic3A_1056 = arith.constant 3 : i32
    %shift_right_arithmetic3A_1057 = vector.broadcast %shift_right_arithmetic3A_1056 : i32 to vector<16xi32>
    %shift_right_arithmetic3A_1058 = arith.shrsi %gather3A_1055, %shift_right_arithmetic3A_1057 : vector<16xi32>
    %shift_left3A_1059 = arith.constant 4 : i32
    %shift_left3A_1060 = vector.broadcast %shift_left3A_1059 : i32 to vector<16xi32>
    %shift_left3A_1061 = arith.shli %shift_right_arithmetic3A_1058, %shift_left3A_1060 : vector<16xi32>
    %and3A_1062 = arith.constant 7 : i32
    %and3A_1063 = vector.broadcast %and3A_1062 : i32 to vector<16xi32>
    %and3A_1064 = arith.andi %gather3A_1055, %and3A_1063 : vector<16xi32>
    %add3A_1065 = arith.addi %shift_left3A_1061, %and3A_1064 : vector<16xi32>
    %add3A_1066 = arith.addi %add3A_1065, %shift_left3A_8 : vector<16xi32>
    %swap3A_1067 = arith.constant 6 : i32
    %swap3A_1068 = arith.index_cast %swap3A_1067 : i32 to index
    %swap3A_1069 = arith.constant 112 : index
    %swap3A_1070 = tpu.vector_load %arg6[%swap3A_1068, %swap3A_1069] {strides = array<i32>} : memref<8x128xi32, #tpu.memory_space<vmem>>, vector<16xi32>,
    tpu.vector_store %arg6[%swap3A_1068, %swap3A_1069], %add3A_1066 {strides = array<i32>} : memref<8x128xi32, #tpu.memory_space<vmem>>, vector<16xi32>,
    %add3A_1071 = arith.constant 448 : i32
    %add3A_1072 = vector.broadcast %add3A_1071 : i32 to vector<16xi32>
    %add3A_1073 = arith.addi %and3A_4, %add3A_1072 : vector<16xi32>
    %gather3A_1074 = tpu.vector_load_idx %arg5[%add3A_1073] : memref<512xi32, #tpu.memory_space<vmem>>[vector<16xi32>], vector<16xi32>,
    %shift_right_arithmetic3A_1075 = arith.constant 3 : i32
    %shift_right_arithmetic3A_1076 = vector.broadcast %shift_right_arithmetic3A_1075 : i32 to vector<16xi32>
    %shift_right_arithmetic3A_1077 = arith.shrsi %gather3A_1074, %shift_right_arithmetic3A_1076 : vector<16xi32>
    %shift_left3A_1078 = arith.constant 4 : i32
    %shift_left3A_1079 = vector.broadcast %shift_left3A_1078 : i32 to vector<16xi32>
    %shift_left3A_1080 = arith.shli %shift_right_arithmetic3A_1077, %shift_left3A_1079 : vector<16xi32>
    %and3A_1081 = arith.constant 7 : i32
    %and3A_1082 = vector.broadcast %and3A_1081 : i32 to vector<16xi32>
    %and3A_1083 = arith.andi %gather3A_1074, %and3A_1082 : vector<16xi32>
    %add3A_1084 = arith.addi %shift_left3A_1080, %and3A_1083 : vector<16xi32>
    %add3A_1085 = arith.addi %add3A_1084, %shift_left3A_8 : vector<16xi32>
    %swap3A_1086 = arith.constant 7 : i32
    %swap3A_1087 = arith.index_cast %swap3A_1086 : i32 to index
    %swap3A_1088 = arith.constant 0 : index
    %swap3A_1089 = tpu.vector_load %arg6[%swap3A_1087, %swap3A_1088] {strides = array<i32>} : memref<8x128xi32, #tpu.memory_space<vmem>>, vector<16xi32>,
    tpu.vector_store %arg6[%swap3A_1087, %swap3A_1088], %add3A_1085 {strides = array<i32>} : memref<8x128xi32, #tpu.memory_space<vmem>>, vector<16xi32>,
    %add3A_1090 = arith.constant 456 : i32
    %add3A_1091 = vector.broadcast %add3A_1090 : i32 to vector<16xi32>
    %add3A_1092 = arith.addi %and3A_4, %add3A_1091 : vector<16xi32>
    %gather3A_1093 = tpu.vector_load_idx %arg5[%add3A_1092] : memref<512xi32, #tpu.memory_space<vmem>>[vector<16xi32>], vector<16xi32>,
    %shift_right_arithmetic3A_1094 = arith.constant 3 : i32
    %shift_right_arithmetic3A_1095 = vector.broadcast %shift_right_arithmetic3A_1094 : i32 to vector<16xi32>
    %shift_right_arithmetic3A_1096 = arith.shrsi %gather3A_1093, %shift_right_arithmetic3A_1095 : vector<16xi32>
    %shift_left3A_1097 = arith.constant 4 : i32
    %shift_left3A_1098 = vector.broadcast %shift_left3A_1097 : i32 to vector<16xi32>
    %shift_left3A_1099 = arith.shli %shift_right_arithmetic3A_1096, %shift_left3A_1098 : vector<16xi32>
    %and3A_1100 = arith.constant 7 : i32
    %and3A_1101 = vector.broadcast %and3A_1100 : i32 to vector<16xi32>
    %and3A_1102 = arith.andi %gather3A_1093, %and3A_1101 : vector<16xi32>
    %add3A_1103 = arith.addi %shift_left3A_1099, %and3A_1102 : vector<16xi32>
    %add3A_1104 = arith.addi %add3A_1103, %shift_left3A_8 : vector<16xi32>
    %swap3A_1105 = arith.constant 7 : i32
    %swap3A_1106 = arith.index_cast %swap3A_1105 : i32 to index
    %swap3A_1107 = arith.constant 16 : index
    %swap3A_1108 = tpu.vector_load %arg6[%swap3A_1106, %swap3A_1107] {strides = array<i32>} : memref<8x128xi32, #tpu.memory_space<vmem>>, vector<16xi32>,
    tpu.vector_store %arg6[%swap3A_1106, %swap3A_1107], %add3A_1104 {strides = array<i32>} : memref<8x128xi32, #tpu.memory_space<vmem>>, vector<16xi32>,
    %add3A_1109 = arith.constant 464 : i32
    %add3A_1110 = vector.broadcast %add3A_1109 : i32 to vector<16xi32>
    %add3A_1111 = arith.addi %and3A_4, %add3A_1110 : vector<16xi32>
    %gather3A_1112 = tpu.vector_load_idx %arg5[%add3A_1111] : memref<512xi32, #tpu.memory_space<vmem>>[vector<16xi32>], vector<16xi32>,
    %shift_right_arithmetic3A_1113 = arith.constant 3 : i32
    %shift_right_arithmetic3A_1114 = vector.broadcast %shift_right_arithmetic3A_1113 : i32 to vector<16xi32>
    %shift_right_arithmetic3A_1115 = arith.shrsi %gather3A_1112, %shift_right_arithmetic3A_1114 : vector<16xi32>
    %shift_left3A_1116 = arith.constant 4 : i32
    %shift_left3A_1117 = vector.broadcast %shift_left3A_1116 : i32 to vector<16xi32>
    %shift_left3A_1118 = arith.shli %shift_right_arithmetic3A_1115, %shift_left3A_1117 : vector<16xi32>
    %and3A_1119 = arith.constant 7 : i32
    %and3A_1120 = vector.broadcast %and3A_1119 : i32 to vector<16xi32>
    %and3A_1121 = arith.andi %gather3A_1112, %and3A_1120 : vector<16xi32>
    %add3A_1122 = arith.addi %shift_left3A_1118, %and3A_1121 : vector<16xi32>
    %add3A_1123 = arith.addi %add3A_1122, %shift_left3A_8 : vector<16xi32>
    %swap3A_1124 = arith.constant 7 : i32
    %swap3A_1125 = arith.index_cast %swap3A_1124 : i32 to index
    %swap3A_1126 = arith.constant 32 : index
    %swap3A_1127 = tpu.vector_load %arg6[%swap3A_1125, %swap3A_1126] {strides = array<i32>} : memref<8x128xi32, #tpu.memory_space<vmem>>, vector<16xi32>,
    tpu.vector_store %arg6[%swap3A_1125, %swap3A_1126], %add3A_1123 {strides = array<i32>} : memref<8x128xi32, #tpu.memory_space<vmem>>, vector<16xi32>,
    %add3A_1128 = arith.constant 472 : i32
    %add3A_1129 = vector.broadcast %add3A_1128 : i32 to vector<16xi32>
    %add3A_1130 = arith.addi %and3A_4, %add3A_1129 : vector<16xi32>
    %gather3A_1131 = tpu.vector_load_idx %arg5[%add3A_1130] : memref<512xi32, #tpu.memory_space<vmem>>[vector<16xi32>], vector<16xi32>,
    %shift_right_arithmetic3A_1132 = arith.constant 3 : i32
    %shift_right_arithmetic3A_1133 = vector.broadcast %shift_right_arithmetic3A_1132 : i32 to vector<16xi32>
    %shift_right_arithmetic3A_1134 = arith.shrsi %gather3A_1131, %shift_right_arithmetic3A_1133 : vector<16xi32>
    %shift_left3A_1135 = arith.constant 4 : i32
    %shift_left3A_1136 = vector.broadcast %shift_left3A_1135 : i32 to vector<16xi32>
    %shift_left3A_1137 = arith.shli %shift_right_arithmetic3A_1134, %shift_left3A_1136 : vector<16xi32>
    %and3A_1138 = arith.constant 7 : i32
    %and3A_1139 = vector.broadcast %and3A_1138 : i32 to vector<16xi32>
    %and3A_1140 = arith.andi %gather3A_1131, %and3A_1139 : vector<16xi32>
    %add3A_1141 = arith.addi %shift_left3A_1137, %and3A_1140 : vector<16xi32>
    %add3A_1142 = arith.addi %add3A_1141, %shift_left3A_8 : vector<16xi32>
    %swap3A_1143 = arith.constant 7 : i32
    %swap3A_1144 = arith.index_cast %swap3A_1143 : i32 to index
    %swap3A_1145 = arith.constant 48 : index
    %swap3A_1146 = tpu.vector_load %arg6[%swap3A_1144, %swap3A_1145] {strides = array<i32>} : memref<8x128xi32, #tpu.memory_space<vmem>>, vector<16xi32>,
    tpu.vector_store %arg6[%swap3A_1144, %swap3A_1145], %add3A_1142 {strides = array<i32>} : memref<8x128xi32, #tpu.memory_space<vmem>>, vector<16xi32>,
    %add3A_1147 = arith.constant 480 : i32
    %add3A_1148 = vector.broadcast %add3A_1147 : i32 to vector<16xi32>
    %add3A_1149 = arith.addi %and3A_4, %add3A_1148 : vector<16xi32>
    %gather3A_1150 = tpu.vector_load_idx %arg5[%add3A_1149] : memref<512xi32, #tpu.memory_space<vmem>>[vector<16xi32>], vector<16xi32>,
    %shift_right_arithmetic3A_1151 = arith.constant 3 : i32
    %shift_right_arithmetic3A_1152 = vector.broadcast %shift_right_arithmetic3A_1151 : i32 to vector<16xi32>
    %shift_right_arithmetic3A_1153 = arith.shrsi %gather3A_1150, %shift_right_arithmetic3A_1152 : vector<16xi32>
    %shift_left3A_1154 = arith.constant 4 : i32
    %shift_left3A_1155 = vector.broadcast %shift_left3A_1154 : i32 to vector<16xi32>
    %shift_left3A_1156 = arith.shli %shift_right_arithmetic3A_1153, %shift_left3A_1155 : vector<16xi32>
    %and3A_1157 = arith.constant 7 : i32
    %and3A_1158 = vector.broadcast %and3A_1157 : i32 to vector<16xi32>
    %and3A_1159 = arith.andi %gather3A_1150, %and3A_1158 : vector<16xi32>
    %add3A_1160 = arith.addi %shift_left3A_1156, %and3A_1159 : vector<16xi32>
    %add3A_1161 = arith.addi %add3A_1160, %shift_left3A_8 : vector<16xi32>
    %swap3A_1162 = arith.constant 7 : i32
    %swap3A_1163 = arith.index_cast %swap3A_1162 : i32 to index
    %swap3A_1164 = arith.constant 64 : index
    %swap3A_1165 = tpu.vector_load %arg6[%swap3A_1163, %swap3A_1164] {strides = array<i32>} : memref<8x128xi32, #tpu.memory_space<vmem>>, vector<16xi32>,
    tpu.vector_store %arg6[%swap3A_1163, %swap3A_1164], %add3A_1161 {strides = array<i32>} : memref<8x128xi32, #tpu.memory_space<vmem>>, vector<16xi32>,
    %add3A_1166 = arith.constant 488 : i32
    %add3A_1167 = vector.broadcast %add3A_1166 : i32 to vector<16xi32>
    %add3A_1168 = arith.addi %and3A_4, %add3A_1167 : vector<16xi32>
    %gather3A_1169 = tpu.vector_load_idx %arg5[%add3A_1168] : memref<512xi32, #tpu.memory_space<vmem>>[vector<16xi32>], vector<16xi32>,
    %shift_right_arithmetic3A_1170 = arith.constant 3 : i32
    %shift_right_arithmetic3A_1171 = vector.broadcast %shift_right_arithmetic3A_1170 : i32 to vector<16xi32>
    %shift_right_arithmetic3A_1172 = arith.shrsi %gather3A_1169, %shift_right_arithmetic3A_1171 : vector<16xi32>
    %shift_left3A_1173 = arith.constant 4 : i32
    %shift_left3A_1174 = vector.broadcast %shift_left3A_1173 : i32 to vector<16xi32>
    %shift_left3A_1175 = arith.shli %shift_right_arithmetic3A_1172, %shift_left3A_1174 : vector<16xi32>
    %and3A_1176 = arith.constant 7 : i32
    %and3A_1177 = vector.broadcast %and3A_1176 : i32 to vector<16xi32>
    %and3A_1178 = arith.andi %gather3A_1169, %and3A_1177 : vector<16xi32>
    %add3A_1179 = arith.addi %shift_left3A_1175, %and3A_1178 : vector<16xi32>
    %add3A_1180 = arith.addi %add3A_1179, %shift_left3A_8 : vector<16xi32>
    %swap3A_1181 = arith.constant 7 : i32
    %swap3A_1182 = arith.index_cast %swap3A_1181 : i32 to index
    %swap3A_1183 = arith.constant 80 : index
    %swap3A_1184 = tpu.vector_load %arg6[%swap3A_1182, %swap3A_1183] {strides = array<i32>} : memref<8x128xi32, #tpu.memory_space<vmem>>, vector<16xi32>,
    tpu.vector_store %arg6[%swap3A_1182, %swap3A_1183], %add3A_1180 {strides = array<i32>} : memref<8x128xi32, #tpu.memory_space<vmem>>, vector<16xi32>,
    %add3A_1185 = arith.constant 496 : i32
    %add3A_1186 = vector.broadcast %add3A_1185 : i32 to vector<16xi32>
    %add3A_1187 = arith.addi %and3A_4, %add3A_1186 : vector<16xi32>
    %gather3A_1188 = tpu.vector_load_idx %arg5[%add3A_1187] : memref<512xi32, #tpu.memory_space<vmem>>[vector<16xi32>], vector<16xi32>,
    %shift_right_arithmetic3A_1189 = arith.constant 3 : i32
    %shift_right_arithmetic3A_1190 = vector.broadcast %shift_right_arithmetic3A_1189 : i32 to vector<16xi32>
    %shift_right_arithmetic3A_1191 = arith.shrsi %gather3A_1188, %shift_right_arithmetic3A_1190 : vector<16xi32>
    %shift_left3A_1192 = arith.constant 4 : i32
    %shift_left3A_1193 = vector.broadcast %shift_left3A_1192 : i32 to vector<16xi32>
    %shift_left3A_1194 = arith.shli %shift_right_arithmetic3A_1191, %shift_left3A_1193 : vector<16xi32>
    %and3A_1195 = arith.constant 7 : i32
    %and3A_1196 = vector.broadcast %and3A_1195 : i32 to vector<16xi32>
    %and3A_1197 = arith.andi %gather3A_1188, %and3A_1196 : vector<16xi32>
    %add3A_1198 = arith.addi %shift_left3A_1194, %and3A_1197 : vector<16xi32>
    %add3A_1199 = arith.addi %add3A_1198, %shift_left3A_8 : vector<16xi32>
    %swap3A_1200 = arith.constant 7 : i32
    %swap3A_1201 = arith.index_cast %swap3A_1200 : i32 to index
    %swap3A_1202 = arith.constant 96 : index
    %swap3A_1203 = tpu.vector_load %arg6[%swap3A_1201, %swap3A_1202] {strides = array<i32>} : memref<8x128xi32, #tpu.memory_space<vmem>>, vector<16xi32>,
    tpu.vector_store %arg6[%swap3A_1201, %swap3A_1202], %add3A_1199 {strides = array<i32>} : memref<8x128xi32, #tpu.memory_space<vmem>>, vector<16xi32>,
    %add3A_1204 = arith.constant 504 : i32
    %add3A_1205 = vector.broadcast %add3A_1204 : i32 to vector<16xi32>
    %add3A_1206 = arith.addi %and3A_4, %add3A_1205 : vector<16xi32>
    %gather3A_1207 = tpu.vector_load_idx %arg5[%add3A_1206] : memref<512xi32, #tpu.memory_space<vmem>>[vector<16xi32>], vector<16xi32>,
    %shift_right_arithmetic3A_1208 = arith.constant 3 : i32
    %shift_right_arithmetic3A_1209 = vector.broadcast %shift_right_arithmetic3A_1208 : i32 to vector<16xi32>
    %shift_right_arithmetic3A_1210 = arith.shrsi %gather3A_1207, %shift_right_arithmetic3A_1209 : vector<16xi32>
    %shift_left3A_1211 = arith.constant 4 : i32
    %shift_left3A_1212 = vector.broadcast %shift_left3A_1211 : i32 to vector<16xi32>
    %shift_left3A_1213 = arith.shli %shift_right_arithmetic3A_1210, %shift_left3A_1212 : vector<16xi32>
    %and3A_1214 = arith.constant 7 : i32
    %and3A_1215 = vector.broadcast %and3A_1214 : i32 to vector<16xi32>
    %and3A_1216 = arith.andi %gather3A_1207, %and3A_1215 : vector<16xi32>
    %add3A_1217 = arith.addi %shift_left3A_1213, %and3A_1216 : vector<16xi32>
    %add3A_1218 = arith.addi %add3A_1217, %shift_left3A_8 : vector<16xi32>
    %swap3A_1219 = arith.constant 7 : i32
    %swap3A_1220 = arith.index_cast %swap3A_1219 : i32 to index
    %swap3A_1221 = arith.constant 112 : index
    %swap3A_1222 = tpu.vector_load %arg6[%swap3A_1220, %swap3A_1221] {strides = array<i32>} : memref<8x128xi32, #tpu.memory_space<vmem>>, vector<16xi32>,
    tpu.vector_store %arg6[%swap3A_1220, %swap3A_1221], %add3A_1218 {strides = array<i32>} : memref<8x128xi32, #tpu.memory_space<vmem>>, vector<16xi32>,
    %dma_start3A = arith.constant 0 : i32
    %dma_start3A_1223 = arith.constant 0 : i32
    %dma_start3A_1224 = tpu.memref_slice %arg6[%dma_start3A, %dma_start3A_1223] : memref<8x128xi32, #tpu.memory_space<vmem>> -> memref<1x128xi32, #tpu.memory_space<vmem>>
    %dma_start3A_1225 = tpu.memref_squeeze %dma_start3A_1224 : memref<1x128xi32, #tpu.memory_space<vmem>> -> memref<128xi32, #tpu.memory_space<vmem>>
    %dma_start3A_1226 = arith.constant 0 : i32
    %dma_start3A_1227 = arith.constant 0 : i32
    %dma_start3A_1228 = tpu.memref_slice %arg2[%dma_start3A_1226, %dma_start3A_1227] : memref<2048x128xf32, #tpu.memory_space<hbm>> -> memref<2048x128xf32, #tpu.memory_space<hbm>>
    tpu.enqueue_indirect_dma source(%dma_start3A_1228 : memref<2048x128xf32, #tpu.memory_space<hbm>>) target(%arg7 : memref<128x128xf32, #tpu.memory_space<vmem>>) offsets(%dma_start3A_1225 : memref<128xi32, #tpu.memory_space<vmem>>) semaphore(%arg11 : memref<!tpu.dma_semaphore, #tpu.memory_space<semaphore_mem>>)
    %dma_start3A_1229 = arith.constant 1 : i32
    %dma_start3A_1230 = arith.constant 0 : i32
    %dma_start3A_1231 = tpu.memref_slice %arg6[%dma_start3A_1229, %dma_start3A_1230] : memref<8x128xi32, #tpu.memory_space<vmem>> -> memref<1x128xi32, #tpu.memory_space<vmem>>
    %dma_start3A_1232 = tpu.memref_squeeze %dma_start3A_1231 : memref<1x128xi32, #tpu.memory_space<vmem>> -> memref<128xi32, #tpu.memory_space<vmem>>
    %dma_start3A_1233 = arith.constant 0 : i32
    %dma_start3A_1234 = arith.constant 0 : i32
    %dma_start3A_1235 = tpu.memref_slice %arg2[%dma_start3A_1233, %dma_start3A_1234] : memref<2048x128xf32, #tpu.memory_space<hbm>> -> memref<2048x128xf32, #tpu.memory_space<hbm>>
    tpu.enqueue_indirect_dma source(%dma_start3A_1235 : memref<2048x128xf32, #tpu.memory_space<hbm>>) target(%arg8 : memref<128x128xf32, #tpu.memory_space<vmem>>) offsets(%dma_start3A_1232 : memref<128xi32, #tpu.memory_space<vmem>>) semaphore(%arg12 : memref<!tpu.dma_semaphore, #tpu.memory_space<semaphore_mem>>)
    %dma_start3A_1236 = arith.constant 2 : i32
    %dma_start3A_1237 = arith.constant 0 : i32
    %dma_start3A_1238 = tpu.memref_slice %arg6[%dma_start3A_1236, %dma_start3A_1237] : memref<8x128xi32, #tpu.memory_space<vmem>> -> memref<1x128xi32, #tpu.memory_space<vmem>>
    %dma_start3A_1239 = tpu.memref_squeeze %dma_start3A_1238 : memref<1x128xi32, #tpu.memory_space<vmem>> -> memref<128xi32, #tpu.memory_space<vmem>>
    %dma_start3A_1240 = arith.constant 0 : i32
    %dma_start3A_1241 = arith.constant 0 : i32
    %dma_start3A_1242 = tpu.memref_slice %arg2[%dma_start3A_1240, %dma_start3A_1241] : memref<2048x128xf32, #tpu.memory_space<hbm>> -> memref<2048x128xf32, #tpu.memory_space<hbm>>
    tpu.enqueue_indirect_dma source(%dma_start3A_1242 : memref<2048x128xf32, #tpu.memory_space<hbm>>) target(%arg9 : memref<128x128xf32, #tpu.memory_space<vmem>>) offsets(%dma_start3A_1239 : memref<128xi32, #tpu.memory_space<vmem>>) semaphore(%arg13 : memref<!tpu.dma_semaphore, #tpu.memory_space<semaphore_mem>>)
    %dma_start3A_1243 = arith.constant 3 : i32
    %dma_start3A_1244 = arith.constant 0 : i32
    %dma_start3A_1245 = tpu.memref_slice %arg6[%dma_start3A_1243, %dma_start3A_1244] : memref<8x128xi32, #tpu.memory_space<vmem>> -> memref<1x128xi32, #tpu.memory_space<vmem>>
    %dma_start3A_1246 = tpu.memref_squeeze %dma_start3A_1245 : memref<1x128xi32, #tpu.memory_space<vmem>> -> memref<128xi32, #tpu.memory_space<vmem>>
    %dma_start3A_1247 = arith.constant 0 : i32
    %dma_start3A_1248 = arith.constant 0 : i32
    %dma_start3A_1249 = tpu.memref_slice %arg2[%dma_start3A_1247, %dma_start3A_1248] : memref<2048x128xf32, #tpu.memory_space<hbm>> -> memref<2048x128xf32, #tpu.memory_space<hbm>>
    tpu.enqueue_indirect_dma source(%dma_start3A_1249 : memref<2048x128xf32, #tpu.memory_space<hbm>>) target(%arg10 : memref<128x128xf32, #tpu.memory_space<vmem>>) offsets(%dma_start3A_1246 : memref<128xi32, #tpu.memory_space<vmem>>) semaphore(%arg14 : memref<!tpu.dma_semaphore, #tpu.memory_space<semaphore_mem>>)
    %dma_wait3A = arith.constant 0 : i32
    %dma_wait3A_1250 = arith.constant 0 : i32
    %dma_wait3A_1251 = tpu.memref_slice %arg6[%dma_wait3A, %dma_wait3A_1250] : memref<8x128xi32, #tpu.memory_space<vmem>> -> memref<1x128xi32, #tpu.memory_space<vmem>>
    %dma_wait3A_1252 = tpu.memref_squeeze %dma_wait3A_1251 : memref<1x128xi32, #tpu.memory_space<vmem>> -> memref<128xi32, #tpu.memory_space<vmem>>
    %dma_wait3A_1253 = arith.constant 0 : i32
    %dma_wait3A_1254 = arith.constant 0 : i32
    %dma_wait3A_1255 = tpu.memref_slice %arg2[%dma_wait3A_1253, %dma_wait3A_1254] : memref<2048x128xf32, #tpu.memory_space<hbm>> -> memref<2048x128xf32, #tpu.memory_space<hbm>>
    tpu.wait_indirect_dma semaphore(%arg11 : memref<!tpu.dma_semaphore, #tpu.memory_space<semaphore_mem>>) src(%dma_wait3A_1255 : memref<2048x128xf32, #tpu.memory_space<hbm>>) dst(%arg7 : memref<128x128xf32, #tpu.memory_space<vmem>>)
    %add3A_1256 = arith.constant 0 : i32
    %add3A_1257 = arith.addi %mul3A_2, %add3A_1256 : i32
    %mul3A_1258 = arith.constant 2 : i32
    %mul3A_1259 = arith.muli %add3A_1257, %mul3A_1258 : i32
    %dma_start3A_1260 = arith.constant 0 : i32
    %dma_start3A_1261 = tpu.memref_slice %arg4[%mul3A_1259, %dma_start3A_1260] : memref<32768x128xf32, #tpu.memory_space<hbm>> -> memref<128x128xf32, #tpu.memory_space<hbm>>
    %dma_start3A_1262 = arith.constant 0 : i32
    %dma_start3A_1263 = tpu.memref_slice %arg4[%mul3A_1259, %dma_start3A_1262] : memref<32768x128xf32, #tpu.memory_space<hbm>> -> memref<128x128xf32, #tpu.memory_space<hbm>>
    tpu.enqueue_dma source(%arg7 : memref<128x128xf32, #tpu.memory_space<vmem>>) target(%dma_start3A_1263 : memref<128x128xf32, #tpu.memory_space<hbm>>) target_semaphore(%arg15 : memref<!tpu.dma_semaphore, #tpu.memory_space<semaphore_mem>>)
    %dma_wait3A_1264 = arith.constant 0 : i32
    %dma_wait3A_1265 = arith.constant 0 : i32
    %dma_wait3A_1266 = tpu.memref_slice %arg4[%dma_wait3A_1264, %dma_wait3A_1265] : memref<32768x128xf32, #tpu.memory_space<hbm>> -> memref<128x128xf32, #tpu.memory_space<hbm>>
    %dma_wait3A_1267 = arith.constant 0 : i32
    %dma_wait3A_1268 = arith.constant 0 : i32
    %dma_wait3A_1269 = tpu.memref_slice %arg4[%dma_wait3A_1267, %dma_wait3A_1268] : memref<32768x128xf32, #tpu.memory_space<hbm>> -> memref<128x128xf32, #tpu.memory_space<hbm>>
    tpu.wait_dma2 semaphore(%arg15 : memref<!tpu.dma_semaphore, #tpu.memory_space<semaphore_mem>>) src(%arg7 : memref<128x128xf32, #tpu.memory_space<vmem>>) dst(%dma_wait3A_1269 : memref<128x128xf32, #tpu.memory_space<hbm>>)
    %dma_start3A_1270 = arith.constant 4 : i32
    %dma_start3A_1271 = arith.constant 0 : i32
    %dma_start3A_1272 = tpu.memref_slice %arg6[%dma_start3A_1270, %dma_start3A_1271] : memref<8x128xi32, #tpu.memory_space<vmem>> -> memref<1x128xi32, #tpu.memory_space<vmem>>
    %dma_start3A_1273 = tpu.memref_squeeze %dma_start3A_1272 : memref<1x128xi32, #tpu.memory_space<vmem>> -> memref<128xi32, #tpu.memory_space<vmem>>
    %dma_start3A_1274 = arith.constant 0 : i32
    %dma_start3A_1275 = arith.constant 0 : i32
    %dma_start3A_1276 = tpu.memref_slice %arg2[%dma_start3A_1274, %dma_start3A_1275] : memref<2048x128xf32, #tpu.memory_space<hbm>> -> memref<2048x128xf32, #tpu.memory_space<hbm>>
    tpu.enqueue_indirect_dma source(%dma_start3A_1276 : memref<2048x128xf32, #tpu.memory_space<hbm>>) target(%arg7 : memref<128x128xf32, #tpu.memory_space<vmem>>) offsets(%dma_start3A_1273 : memref<128xi32, #tpu.memory_space<vmem>>) semaphore(%arg11 : memref<!tpu.dma_semaphore, #tpu.memory_space<semaphore_mem>>)
    %dma_wait3A_1277 = arith.constant 1 : i32
    %dma_wait3A_1278 = arith.constant 0 : i32
    %dma_wait3A_1279 = tpu.memref_slice %arg6[%dma_wait3A_1277, %dma_wait3A_1278] : memref<8x128xi32, #tpu.memory_space<vmem>> -> memref<1x128xi32, #tpu.memory_space<vmem>>
    %dma_wait3A_1280 = tpu.memref_squeeze %dma_wait3A_1279 : memref<1x128xi32, #tpu.memory_space<vmem>> -> memref<128xi32, #tpu.memory_space<vmem>>
    %dma_wait3A_1281 = arith.constant 0 : i32
    %dma_wait3A_1282 = arith.constant 0 : i32
    %dma_wait3A_1283 = tpu.memref_slice %arg2[%dma_wait3A_1281, %dma_wait3A_1282] : memref<2048x128xf32, #tpu.memory_space<hbm>> -> memref<2048x128xf32, #tpu.memory_space<hbm>>
    tpu.wait_indirect_dma semaphore(%arg12 : memref<!tpu.dma_semaphore, #tpu.memory_space<semaphore_mem>>) src(%dma_wait3A_1283 : memref<2048x128xf32, #tpu.memory_space<hbm>>) dst(%arg8 : memref<128x128xf32, #tpu.memory_space<vmem>>)
    %add3A_1284 = arith.constant 64 : i32
    %add3A_1285 = arith.addi %mul3A_2, %add3A_1284 : i32
    %mul3A_1286 = arith.constant 2 : i32
    %mul3A_1287 = arith.muli %add3A_1285, %mul3A_1286 : i32
    %dma_start3A_1288 = arith.constant 0 : i32
    %dma_start3A_1289 = tpu.memref_slice %arg4[%mul3A_1287, %dma_start3A_1288] : memref<32768x128xf32, #tpu.memory_space<hbm>> -> memref<128x128xf32, #tpu.memory_space<hbm>>
    %dma_start3A_1290 = arith.constant 0 : i32
    %dma_start3A_1291 = tpu.memref_slice %arg4[%mul3A_1287, %dma_start3A_1290] : memref<32768x128xf32, #tpu.memory_space<hbm>> -> memref<128x128xf32, #tpu.memory_space<hbm>>
    tpu.enqueue_dma source(%arg8 : memref<128x128xf32, #tpu.memory_space<vmem>>) target(%dma_start3A_1291 : memref<128x128xf32, #tpu.memory_space<hbm>>) target_semaphore(%arg16 : memref<!tpu.dma_semaphore, #tpu.memory_space<semaphore_mem>>)
    %dma_wait3A_1292 = arith.constant 0 : i32
    %dma_wait3A_1293 = arith.constant 0 : i32
    %dma_wait3A_1294 = tpu.memref_slice %arg4[%dma_wait3A_1292, %dma_wait3A_1293] : memref<32768x128xf32, #tpu.memory_space<hbm>> -> memref<128x128xf32, #tpu.memory_space<hbm>>
    %dma_wait3A_1295 = arith.constant 0 : i32
    %dma_wait3A_1296 = arith.constant 0 : i32
    %dma_wait3A_1297 = tpu.memref_slice %arg4[%dma_wait3A_1295, %dma_wait3A_1296] : memref<32768x128xf32, #tpu.memory_space<hbm>> -> memref<128x128xf32, #tpu.memory_space<hbm>>
    tpu.wait_dma2 semaphore(%arg16 : memref<!tpu.dma_semaphore, #tpu.memory_space<semaphore_mem>>) src(%arg8 : memref<128x128xf32, #tpu.memory_space<vmem>>) dst(%dma_wait3A_1297 : memref<128x128xf32, #tpu.memory_space<hbm>>)
    %dma_start3A_1298 = arith.constant 5 : i32
    %dma_start3A_1299 = arith.constant 0 : i32
    %dma_start3A_1300 = tpu.memref_slice %arg6[%dma_start3A_1298, %dma_start3A_1299] : memref<8x128xi32, #tpu.memory_space<vmem>> -> memref<1x128xi32, #tpu.memory_space<vmem>>
    %dma_start3A_1301 = tpu.memref_squeeze %dma_start3A_1300 : memref<1x128xi32, #tpu.memory_space<vmem>> -> memref<128xi32, #tpu.memory_space<vmem>>
    %dma_start3A_1302 = arith.constant 0 : i32
    %dma_start3A_1303 = arith.constant 0 : i32
    %dma_start3A_1304 = tpu.memref_slice %arg2[%dma_start3A_1302, %dma_start3A_1303] : memref<2048x128xf32, #tpu.memory_space<hbm>> -> memref<2048x128xf32, #tpu.memory_space<hbm>>
    tpu.enqueue_indirect_dma source(%dma_start3A_1304 : memref<2048x128xf32, #tpu.memory_space<hbm>>) target(%arg8 : memref<128x128xf32, #tpu.memory_space<vmem>>) offsets(%dma_start3A_1301 : memref<128xi32, #tpu.memory_space<vmem>>) semaphore(%arg12 : memref<!tpu.dma_semaphore, #tpu.memory_space<semaphore_mem>>)
    %dma_wait3A_1305 = arith.constant 2 : i32
    %dma_wait3A_1306 = arith.constant 0 : i32
    %dma_wait3A_1307 = tpu.memref_slice %arg6[%dma_wait3A_1305, %dma_wait3A_1306] : memref<8x128xi32, #tpu.memory_space<vmem>> -> memref<1x128xi32, #tpu.memory_space<vmem>>
    %dma_wait3A_1308 = tpu.memref_squeeze %dma_wait3A_1307 : memref<1x128xi32, #tpu.memory_space<vmem>> -> memref<128xi32, #tpu.memory_space<vmem>>
    %dma_wait3A_1309 = arith.constant 0 : i32
    %dma_wait3A_1310 = arith.constant 0 : i32
    %dma_wait3A_1311 = tpu.memref_slice %arg2[%dma_wait3A_1309, %dma_wait3A_1310] : memref<2048x128xf32, #tpu.memory_space<hbm>> -> memref<2048x128xf32, #tpu.memory_space<hbm>>
    tpu.wait_indirect_dma semaphore(%arg13 : memref<!tpu.dma_semaphore, #tpu.memory_space<semaphore_mem>>) src(%dma_wait3A_1311 : memref<2048x128xf32, #tpu.memory_space<hbm>>) dst(%arg9 : memref<128x128xf32, #tpu.memory_space<vmem>>)
    %add3A_1312 = arith.constant 128 : i32
    %add3A_1313 = arith.addi %mul3A_2, %add3A_1312 : i32
    %mul3A_1314 = arith.constant 2 : i32
    %mul3A_1315 = arith.muli %add3A_1313, %mul3A_1314 : i32
    %dma_start3A_1316 = arith.constant 0 : i32
    %dma_start3A_1317 = tpu.memref_slice %arg4[%mul3A_1315, %dma_start3A_1316] : memref<32768x128xf32, #tpu.memory_space<hbm>> -> memref<128x128xf32, #tpu.memory_space<hbm>>
    %dma_start3A_1318 = arith.constant 0 : i32
    %dma_start3A_1319 = tpu.memref_slice %arg4[%mul3A_1315, %dma_start3A_1318] : memref<32768x128xf32, #tpu.memory_space<hbm>> -> memref<128x128xf32, #tpu.memory_space<hbm>>
    tpu.enqueue_dma source(%arg9 : memref<128x128xf32, #tpu.memory_space<vmem>>) target(%dma_start3A_1319 : memref<128x128xf32, #tpu.memory_space<hbm>>) target_semaphore(%arg17 : memref<!tpu.dma_semaphore, #tpu.memory_space<semaphore_mem>>)
    %dma_wait3A_1320 = arith.constant 0 : i32
    %dma_wait3A_1321 = arith.constant 0 : i32
    %dma_wait3A_1322 = tpu.memref_slice %arg4[%dma_wait3A_1320, %dma_wait3A_1321] : memref<32768x128xf32, #tpu.memory_space<hbm>> -> memref<128x128xf32, #tpu.memory_space<hbm>>
    %dma_wait3A_1323 = arith.constant 0 : i32
    %dma_wait3A_1324 = arith.constant 0 : i32
    %dma_wait3A_1325 = tpu.memref_slice %arg4[%dma_wait3A_1323, %dma_wait3A_1324] : memref<32768x128xf32, #tpu.memory_space<hbm>> -> memref<128x128xf32, #tpu.memory_space<hbm>>
    tpu.wait_dma2 semaphore(%arg17 : memref<!tpu.dma_semaphore, #tpu.memory_space<semaphore_mem>>) src(%arg9 : memref<128x128xf32, #tpu.memory_space<vmem>>) dst(%dma_wait3A_1325 : memref<128x128xf32, #tpu.memory_space<hbm>>)
    %dma_start3A_1326 = arith.constant 6 : i32
    %dma_start3A_1327 = arith.constant 0 : i32
    %dma_start3A_1328 = tpu.memref_slice %arg6[%dma_start3A_1326, %dma_start3A_1327] : memref<8x128xi32, #tpu.memory_space<vmem>> -> memref<1x128xi32, #tpu.memory_space<vmem>>
    %dma_start3A_1329 = tpu.memref_squeeze %dma_start3A_1328 : memref<1x128xi32, #tpu.memory_space<vmem>> -> memref<128xi32, #tpu.memory_space<vmem>>
    %dma_start3A_1330 = arith.constant 0 : i32
    %dma_start3A_1331 = arith.constant 0 : i32
    %dma_start3A_1332 = tpu.memref_slice %arg2[%dma_start3A_1330, %dma_start3A_1331] : memref<2048x128xf32, #tpu.memory_space<hbm>> -> memref<2048x128xf32, #tpu.memory_space<hbm>>
    tpu.enqueue_indirect_dma source(%dma_start3A_1332 : memref<2048x128xf32, #tpu.memory_space<hbm>>) target(%arg9 : memref<128x128xf32, #tpu.memory_space<vmem>>) offsets(%dma_start3A_1329 : memref<128xi32, #tpu.memory_space<vmem>>) semaphore(%arg13 : memref<!tpu.dma_semaphore, #tpu.memory_space<semaphore_mem>>)
    %dma_wait3A_1333 = arith.constant 3 : i32
    %dma_wait3A_1334 = arith.constant 0 : i32
    %dma_wait3A_1335 = tpu.memref_slice %arg6[%dma_wait3A_1333, %dma_wait3A_1334] : memref<8x128xi32, #tpu.memory_space<vmem>> -> memref<1x128xi32, #tpu.memory_space<vmem>>
    %dma_wait3A_1336 = tpu.memref_squeeze %dma_wait3A_1335 : memref<1x128xi32, #tpu.memory_space<vmem>> -> memref<128xi32, #tpu.memory_space<vmem>>
    %dma_wait3A_1337 = arith.constant 0 : i32
    %dma_wait3A_1338 = arith.constant 0 : i32
    %dma_wait3A_1339 = tpu.memref_slice %arg2[%dma_wait3A_1337, %dma_wait3A_1338] : memref<2048x128xf32, #tpu.memory_space<hbm>> -> memref<2048x128xf32, #tpu.memory_space<hbm>>
    tpu.wait_indirect_dma semaphore(%arg14 : memref<!tpu.dma_semaphore, #tpu.memory_space<semaphore_mem>>) src(%dma_wait3A_1339 : memref<2048x128xf32, #tpu.memory_space<hbm>>) dst(%arg10 : memref<128x128xf32, #tpu.memory_space<vmem>>)
    %add3A_1340 = arith.constant 192 : i32
    %add3A_1341 = arith.addi %mul3A_2, %add3A_1340 : i32
    %mul3A_1342 = arith.constant 2 : i32
    %mul3A_1343 = arith.muli %add3A_1341, %mul3A_1342 : i32
    %dma_start3A_1344 = arith.constant 0 : i32
    %dma_start3A_1345 = tpu.memref_slice %arg4[%mul3A_1343, %dma_start3A_1344] : memref<32768x128xf32, #tpu.memory_space<hbm>> -> memref<128x128xf32, #tpu.memory_space<hbm>>
    %dma_start3A_1346 = arith.constant 0 : i32
    %dma_start3A_1347 = tpu.memref_slice %arg4[%mul3A_1343, %dma_start3A_1346] : memref<32768x128xf32, #tpu.memory_space<hbm>> -> memref<128x128xf32, #tpu.memory_space<hbm>>
    tpu.enqueue_dma source(%arg10 : memref<128x128xf32, #tpu.memory_space<vmem>>) target(%dma_start3A_1347 : memref<128x128xf32, #tpu.memory_space<hbm>>) target_semaphore(%arg18 : memref<!tpu.dma_semaphore, #tpu.memory_space<semaphore_mem>>)
    %dma_wait3A_1348 = arith.constant 0 : i32
    %dma_wait3A_1349 = arith.constant 0 : i32
    %dma_wait3A_1350 = tpu.memref_slice %arg4[%dma_wait3A_1348, %dma_wait3A_1349] : memref<32768x128xf32, #tpu.memory_space<hbm>> -> memref<128x128xf32, #tpu.memory_space<hbm>>
    %dma_wait3A_1351 = arith.constant 0 : i32
    %dma_wait3A_1352 = arith.constant 0 : i32
    %dma_wait3A_1353 = tpu.memref_slice %arg4[%dma_wait3A_1351, %dma_wait3A_1352] : memref<32768x128xf32, #tpu.memory_space<hbm>> -> memref<128x128xf32, #tpu.memory_space<hbm>>
    tpu.wait_dma2 semaphore(%arg18 : memref<!tpu.dma_semaphore, #tpu.memory_space<semaphore_mem>>) src(%arg10 : memref<128x128xf32, #tpu.memory_space<vmem>>) dst(%dma_wait3A_1353 : memref<128x128xf32, #tpu.memory_space<hbm>>)
    %dma_start3A_1354 = arith.constant 7 : i32
    %dma_start3A_1355 = arith.constant 0 : i32
    %dma_start3A_1356 = tpu.memref_slice %arg6[%dma_start3A_1354, %dma_start3A_1355] : memref<8x128xi32, #tpu.memory_space<vmem>> -> memref<1x128xi32, #tpu.memory_space<vmem>>
    %dma_start3A_1357 = tpu.memref_squeeze %dma_start3A_1356 : memref<1x128xi32, #tpu.memory_space<vmem>> -> memref<128xi32, #tpu.memory_space<vmem>>
    %dma_start3A_1358 = arith.constant 0 : i32
    %dma_start3A_1359 = arith.constant 0 : i32
    %dma_start3A_1360 = tpu.memref_slice %arg2[%dma_start3A_1358, %dma_start3A_1359] : memref<2048x128xf32, #tpu.memory_space<hbm>> -> memref<2048x128xf32, #tpu.memory_space<hbm>>
    tpu.enqueue_indirect_dma source(%dma_start3A_1360 : memref<2048x128xf32, #tpu.memory_space<hbm>>) target(%arg10 : memref<128x128xf32, #tpu.memory_space<vmem>>) offsets(%dma_start3A_1357 : memref<128xi32, #tpu.memory_space<vmem>>) semaphore(%arg14 : memref<!tpu.dma_semaphore, #tpu.memory_space<semaphore_mem>>)
    %dma_wait3A_1361 = arith.constant 4 : i32
    %dma_wait3A_1362 = arith.constant 0 : i32
    %dma_wait3A_1363 = tpu.memref_slice %arg6[%dma_wait3A_1361, %dma_wait3A_1362] : memref<8x128xi32, #tpu.memory_space<vmem>> -> memref<1x128xi32, #tpu.memory_space<vmem>>
    %dma_wait3A_1364 = tpu.memref_squeeze %dma_wait3A_1363 : memref<1x128xi32, #tpu.memory_space<vmem>> -> memref<128xi32, #tpu.memory_space<vmem>>
    %dma_wait3A_1365 = arith.constant 0 : i32
    %dma_wait3A_1366 = arith.constant 0 : i32
    %dma_wait3A_1367 = tpu.memref_slice %arg2[%dma_wait3A_1365, %dma_wait3A_1366] : memref<2048x128xf32, #tpu.memory_space<hbm>> -> memref<2048x128xf32, #tpu.memory_space<hbm>>
    tpu.wait_indirect_dma semaphore(%arg11 : memref<!tpu.dma_semaphore, #tpu.memory_space<semaphore_mem>>) src(%dma_wait3A_1367 : memref<2048x128xf32, #tpu.memory_space<hbm>>) dst(%arg7 : memref<128x128xf32, #tpu.memory_space<vmem>>)
    %add3A_1368 = arith.constant 256 : i32
    %add3A_1369 = arith.addi %mul3A_2, %add3A_1368 : i32
    %mul3A_1370 = arith.constant 2 : i32
    %mul3A_1371 = arith.muli %add3A_1369, %mul3A_1370 : i32
    %dma_start3A_1372 = arith.constant 0 : i32
    %dma_start3A_1373 = tpu.memref_slice %arg4[%mul3A_1371, %dma_start3A_1372] : memref<32768x128xf32, #tpu.memory_space<hbm>> -> memref<128x128xf32, #tpu.memory_space<hbm>>
    %dma_start3A_1374 = arith.constant 0 : i32
    %dma_start3A_1375 = tpu.memref_slice %arg4[%mul3A_1371, %dma_start3A_1374] : memref<32768x128xf32, #tpu.memory_space<hbm>> -> memref<128x128xf32, #tpu.memory_space<hbm>>
    tpu.enqueue_dma source(%arg7 : memref<128x128xf32, #tpu.memory_space<vmem>>) target(%dma_start3A_1375 : memref<128x128xf32, #tpu.memory_space<hbm>>) target_semaphore(%arg15 : memref<!tpu.dma_semaphore, #tpu.memory_space<semaphore_mem>>)
    %dma_wait3A_1376 = arith.constant 5 : i32
    %dma_wait3A_1377 = arith.constant 0 : i32
    %dma_wait3A_1378 = tpu.memref_slice %arg6[%dma_wait3A_1376, %dma_wait3A_1377] : memref<8x128xi32, #tpu.memory_space<vmem>> -> memref<1x128xi32, #tpu.memory_space<vmem>>
    %dma_wait3A_1379 = tpu.memref_squeeze %dma_wait3A_1378 : memref<1x128xi32, #tpu.memory_space<vmem>> -> memref<128xi32, #tpu.memory_space<vmem>>
    %dma_wait3A_1380 = arith.constant 0 : i32
    %dma_wait3A_1381 = arith.constant 0 : i32
    %dma_wait3A_1382 = tpu.memref_slice %arg2[%dma_wait3A_1380, %dma_wait3A_1381] : memref<2048x128xf32, #tpu.memory_space<hbm>> -> memref<2048x128xf32, #tpu.memory_space<hbm>>
    tpu.wait_indirect_dma semaphore(%arg12 : memref<!tpu.dma_semaphore, #tpu.memory_space<semaphore_mem>>) src(%dma_wait3A_1382 : memref<2048x128xf32, #tpu.memory_space<hbm>>) dst(%arg8 : memref<128x128xf32, #tpu.memory_space<vmem>>)
    %add3A_1383 = arith.constant 320 : i32
    %add3A_1384 = arith.addi %mul3A_2, %add3A_1383 : i32
    %mul3A_1385 = arith.constant 2 : i32
    %mul3A_1386 = arith.muli %add3A_1384, %mul3A_1385 : i32
    %dma_start3A_1387 = arith.constant 0 : i32
    %dma_start3A_1388 = tpu.memref_slice %arg4[%mul3A_1386, %dma_start3A_1387] : memref<32768x128xf32, #tpu.memory_space<hbm>> -> memref<128x128xf32, #tpu.memory_space<hbm>>
    %dma_start3A_1389 = arith.constant 0 : i32
    %dma_start3A_1390 = tpu.memref_slice %arg4[%mul3A_1386, %dma_start3A_1389] : memref<32768x128xf32, #tpu.memory_space<hbm>> -> memref<128x128xf32, #tpu.memory_space<hbm>>
    tpu.enqueue_dma source(%arg8 : memref<128x128xf32, #tpu.memory_space<vmem>>) target(%dma_start3A_1390 : memref<128x128xf32, #tpu.memory_space<hbm>>) target_semaphore(%arg16 : memref<!tpu.dma_semaphore, #tpu.memory_space<semaphore_mem>>)
    %dma_wait3A_1391 = arith.constant 6 : i32
    %dma_wait3A_1392 = arith.constant 0 : i32
    %dma_wait3A_1393 = tpu.memref_slice %arg6[%dma_wait3A_1391, %dma_wait3A_1392] : memref<8x128xi32, #tpu.memory_space<vmem>> -> memref<1x128xi32, #tpu.memory_space<vmem>>
    %dma_wait3A_1394 = tpu.memref_squeeze %dma_wait3A_1393 : memref<1x128xi32, #tpu.memory_space<vmem>> -> memref<128xi32, #tpu.memory_space<vmem>>
    %dma_wait3A_1395 = arith.constant 0 : i32
    %dma_wait3A_1396 = arith.constant 0 : i32
    %dma_wait3A_1397 = tpu.memref_slice %arg2[%dma_wait3A_1395, %dma_wait3A_1396] : memref<2048x128xf32, #tpu.memory_space<hbm>> -> memref<2048x128xf32, #tpu.memory_space<hbm>>
    tpu.wait_indirect_dma semaphore(%arg13 : memref<!tpu.dma_semaphore, #tpu.memory_space<semaphore_mem>>) src(%dma_wait3A_1397 : memref<2048x128xf32, #tpu.memory_space<hbm>>) dst(%arg9 : memref<128x128xf32, #tpu.memory_space<vmem>>)
    %add3A_1398 = arith.constant 384 : i32
    %add3A_1399 = arith.addi %mul3A_2, %add3A_1398 : i32
    %mul3A_1400 = arith.constant 2 : i32
    %mul3A_1401 = arith.muli %add3A_1399, %mul3A_1400 : i32
    %dma_start3A_1402 = arith.constant 0 : i32
    %dma_start3A_1403 = tpu.memref_slice %arg4[%mul3A_1401, %dma_start3A_1402] : memref<32768x128xf32, #tpu.memory_space<hbm>> -> memref<128x128xf32, #tpu.memory_space<hbm>>
    %dma_start3A_1404 = arith.constant 0 : i32
    %dma_start3A_1405 = tpu.memref_slice %arg4[%mul3A_1401, %dma_start3A_1404] : memref<32768x128xf32, #tpu.memory_space<hbm>> -> memref<128x128xf32, #tpu.memory_space<hbm>>
    tpu.enqueue_dma source(%arg9 : memref<128x128xf32, #tpu.memory_space<vmem>>) target(%dma_start3A_1405 : memref<128x128xf32, #tpu.memory_space<hbm>>) target_semaphore(%arg17 : memref<!tpu.dma_semaphore, #tpu.memory_space<semaphore_mem>>)
    %dma_wait3A_1406 = arith.constant 7 : i32
    %dma_wait3A_1407 = arith.constant 0 : i32
    %dma_wait3A_1408 = tpu.memref_slice %arg6[%dma_wait3A_1406, %dma_wait3A_1407] : memref<8x128xi32, #tpu.memory_space<vmem>> -> memref<1x128xi32, #tpu.memory_space<vmem>>
    %dma_wait3A_1409 = tpu.memref_squeeze %dma_wait3A_1408 : memref<1x128xi32, #tpu.memory_space<vmem>> -> memref<128xi32, #tpu.memory_space<vmem>>
    %dma_wait3A_1410 = arith.constant 0 : i32
    %dma_wait3A_1411 = arith.constant 0 : i32
    %dma_wait3A_1412 = tpu.memref_slice %arg2[%dma_wait3A_1410, %dma_wait3A_1411] : memref<2048x128xf32, #tpu.memory_space<hbm>> -> memref<2048x128xf32, #tpu.memory_space<hbm>>
    tpu.wait_indirect_dma semaphore(%arg14 : memref<!tpu.dma_semaphore, #tpu.memory_space<semaphore_mem>>) src(%dma_wait3A_1412 : memref<2048x128xf32, #tpu.memory_space<hbm>>) dst(%arg10 : memref<128x128xf32, #tpu.memory_space<vmem>>)
    %add3A_1413 = arith.constant 448 : i32
    %add3A_1414 = arith.addi %mul3A_2, %add3A_1413 : i32
    %mul3A_1415 = arith.constant 2 : i32
    %mul3A_1416 = arith.muli %add3A_1414, %mul3A_1415 : i32
    %dma_start3A_1417 = arith.constant 0 : i32
    %dma_start3A_1418 = tpu.memref_slice %arg4[%mul3A_1416, %dma_start3A_1417] : memref<32768x128xf32, #tpu.memory_space<hbm>> -> memref<128x128xf32, #tpu.memory_space<hbm>>
    %dma_start3A_1419 = arith.constant 0 : i32
    %dma_start3A_1420 = tpu.memref_slice %arg4[%mul3A_1416, %dma_start3A_1419] : memref<32768x128xf32, #tpu.memory_space<hbm>> -> memref<128x128xf32, #tpu.memory_space<hbm>>
    tpu.enqueue_dma source(%arg10 : memref<128x128xf32, #tpu.memory_space<vmem>>) target(%dma_start3A_1420 : memref<128x128xf32, #tpu.memory_space<hbm>>) target_semaphore(%arg18 : memref<!tpu.dma_semaphore, #tpu.memory_space<semaphore_mem>>)
    %dma_wait3A_1421 = arith.constant 0 : i32
    %dma_wait3A_1422 = arith.constant 0 : i32
    %dma_wait3A_1423 = tpu.memref_slice %arg4[%dma_wait3A_1421, %dma_wait3A_1422] : memref<32768x128xf32, #tpu.memory_space<hbm>> -> memref<128x128xf32, #tpu.memory_space<hbm>>
    %dma_wait3A_1424 = arith.constant 0 : i32
    %dma_wait3A_1425 = arith.constant 0 : i32
    %dma_wait3A_1426 = tpu.memref_slice %arg4[%dma_wait3A_1424, %dma_wait3A_1425] : memref<32768x128xf32, #tpu.memory_space<hbm>> -> memref<128x128xf32, #tpu.memory_space<hbm>>
    tpu.wait_dma2 semaphore(%arg15 : memref<!tpu.dma_semaphore, #tpu.memory_space<semaphore_mem>>) src(%arg7 : memref<128x128xf32, #tpu.memory_space<vmem>>) dst(%dma_wait3A_1426 : memref<128x128xf32, #tpu.memory_space<hbm>>)
    %dma_wait3A_1427 = arith.constant 0 : i32
    %dma_wait3A_1428 = arith.constant 0 : i32
    %dma_wait3A_1429 = tpu.memref_slice %arg4[%dma_wait3A_1427, %dma_wait3A_1428] : memref<32768x128xf32, #tpu.memory_space<hbm>> -> memref<128x128xf32, #tpu.memory_space<hbm>>
    %dma_wait3A_1430 = arith.constant 0 : i32
    %dma_wait3A_1431 = arith.constant 0 : i32
    %dma_wait3A_1432 = tpu.memref_slice %arg4[%dma_wait3A_1430, %dma_wait3A_1431] : memref<32768x128xf32, #tpu.memory_space<hbm>> -> memref<128x128xf32, #tpu.memory_space<hbm>>
    tpu.wait_dma2 semaphore(%arg16 : memref<!tpu.dma_semaphore, #tpu.memory_space<semaphore_mem>>) src(%arg8 : memref<128x128xf32, #tpu.memory_space<vmem>>) dst(%dma_wait3A_1432 : memref<128x128xf32, #tpu.memory_space<hbm>>)
    %dma_wait3A_1433 = arith.constant 0 : i32
    %dma_wait3A_1434 = arith.constant 0 : i32
    %dma_wait3A_1435 = tpu.memref_slice %arg4[%dma_wait3A_1433, %dma_wait3A_1434] : memref<32768x128xf32, #tpu.memory_space<hbm>> -> memref<128x128xf32, #tpu.memory_space<hbm>>
    %dma_wait3A_1436 = arith.constant 0 : i32
    %dma_wait3A_1437 = arith.constant 0 : i32
    %dma_wait3A_1438 = tpu.memref_slice %arg4[%dma_wait3A_1436, %dma_wait3A_1437] : memref<32768x128xf32, #tpu.memory_space<hbm>> -> memref<128x128xf32, #tpu.memory_space<hbm>>
    tpu.wait_dma2 semaphore(%arg17 : memref<!tpu.dma_semaphore, #tpu.memory_space<semaphore_mem>>) src(%arg9 : memref<128x128xf32, #tpu.memory_space<vmem>>) dst(%dma_wait3A_1438 : memref<128x128xf32, #tpu.memory_space<hbm>>)
    %dma_wait3A_1439 = arith.constant 0 : i32
    %dma_wait3A_1440 = arith.constant 0 : i32
    %dma_wait3A_1441 = tpu.memref_slice %arg4[%dma_wait3A_1439, %dma_wait3A_1440] : memref<32768x128xf32, #tpu.memory_space<hbm>> -> memref<128x128xf32, #tpu.memory_space<hbm>>
    %dma_wait3A_1442 = arith.constant 0 : i32
    %dma_wait3A_1443 = arith.constant 0 : i32
    %dma_wait3A_1444 = tpu.memref_slice %arg4[%dma_wait3A_1442, %dma_wait3A_1443] : memref<32768x128xf32, #tpu.memory_space<hbm>> -> memref<128x128xf32, #tpu.memory_space<hbm>>
    tpu.wait_dma2 semaphore(%arg18 : memref<!tpu.dma_semaphore, #tpu.memory_space<semaphore_mem>>) src(%arg10 : memref<128x128xf32, #tpu.memory_space<vmem>>) dst(%dma_wait3A_1444 : memref<128x128xf32, #tpu.memory_space<hbm>>)
    return
  }
}

module attributes {stable_mosaic.version = 14 : i64} {
  func.func @_tc1_body(%arg0: i32, %arg1: memref<1024x256xf32, #tpu.memory_space<vmem>>, %arg2: memref<1024x256xf32, #tpu.memory_space<vmem>>, %arg3: memref<1x1024xf32, #tpu.memory_space<vmem>>, %arg4: memref<1024x1xf32, #tpu.memory_space<vmem>>, %arg5: memref<1x1xf32, #tpu.memory_space<smem>>, %arg6: memref<1x1x1024xi32, #tpu.memory_space<vmem>>, %arg7: memref<256x1024xf32, #tpu.memory_space<vmem>>) attributes {dimension_semantics = [#tpu.dimension_semantics<arbitrary>], iteration_bounds = array<i64: 16>, scalar_prefetch = 0 : i64, scratch_operands = 1 : i64, tpu.core_type = #tpu.core_type<tc>, window_params = [{transform_indices = @transform_0, window_bounds = array<i64: 1024, 256>}, {pipeline_mode = #tpu.pipeline_mode<synchronous>, transform_indices = @transform_1, window_bounds = array<i64: 1024, 256>}, {transform_indices = @transform_2, window_bounds = array<i64: 1, 1024>}, {pipeline_mode = #tpu.pipeline_mode<synchronous>, transform_indices = @transform_3, window_bounds = array<i64: 1024, 1>}, {transform_indices = @transform_4, window_bounds = array<i64: 1, 1>}, {transform_indices = @transform_5, window_bounds = array<i64: 1, 1, 1024>}]} {
    %get3A = arith.constant 0 : index
    %get3A_0 = arith.constant 0 : index
    %get3A_1 = vector.load %arg1[%get3A, %get3A_0] : memref<1024x256xf32, #tpu.memory_space<vmem>>, vector<1024x256xf32>
    %get3A_2 = arith.constant 0 : index
    %get3A_3 = arith.constant 0 : index
    %get3A_4 = vector.load %arg2[%get3A_2, %get3A_3] : memref<1024x256xf32, #tpu.memory_space<vmem>>, vector<1024x256xf32>
    %transpose3A = tpu.transpose %get3A_1, [1, 0] : vector<1024x256xf32> -> vector<256x1024xf32>
    %swap3A = arith.constant 0 : index
    %swap3A_5 = arith.constant 0 : index
    %swap3A_6 = vector.load %arg7[%swap3A, %swap3A_5] : memref<256x1024xf32, #tpu.memory_space<vmem>>, vector<256x1024xf32>
    tpu.vector_store %arg7[%swap3A, %swap3A_5], %transpose3A {strides = array<i32>} : memref<256x1024xf32, #tpu.memory_space<vmem>>, vector<256x1024xf32>,
    %get3A_7 = arith.constant 0 : index
    %get3A_8 = arith.constant 0 : index
    %get3A_9 = vector.load %arg7[%get3A_7, %get3A_8] : memref<256x1024xf32, #tpu.memory_space<vmem>>, vector<256x1024xf32>
    %dot_general3A = arith.constant dense<0.000000e+00> : vector<1024x1024xf32>
    %dot_general3A_10 = tpu.matmul %get3A_4, %get3A_9, %dot_general3A {dimension_numbers = #tpu.dot_dimension_numbers<[1], [0], [0], [1], [0, 0, 1, 1], [], []>, transpose_lhs_hint = false} : vector<1024x256xf32>, vector<256x1024xf32>, vector<1024x1024xf32> -> vector<1024x1024xf32>
    %get3A_11 = arith.constant 0 : index
    %get3A_12 = arith.constant 0 : index
    %get3A_13 = vector.load %arg3[%get3A_11, %get3A_12] : memref<1x1024xf32, #tpu.memory_space<vmem>>, vector<1x1024xf32>
    %get3A_14 = arith.constant 0 : index
    %get3A_15 = arith.constant 0 : index
    %get3A_16 = vector.load %arg4[%get3A_14, %get3A_15] : memref<1024x1xf32, #tpu.memory_space<vmem>>, vector<1024x1xf32>
    %add3A = vector.broadcast %get3A_13 : vector<1x1024xf32> to vector<1024x1024xf32>
    %add3A_17 = vector.broadcast %get3A_16 : vector<1024x1xf32> to vector<1024x1024xf32>
    %add3A_18 = arith.addf %add3A, %add3A_17 : vector<1024x1024xf32>
    %mul3A = arith.constant 2.000000e+00 : f32
    %mul3A_19 = vector.broadcast %mul3A : f32 to vector<1024x1024xf32>
    %mul3A_20 = arith.mulf %mul3A_19, %dot_general3A_10 : vector<1024x1024xf32>
    %sub3A = arith.subf %add3A_18, %mul3A_20 : vector<1024x1024xf32>
    %reduce_min3A = arith.constant dense<0x7F800000> : vector<1024xf32>
    %reduce_min3A_21 = vector.multi_reduction <minimumf>, %sub3A, %reduce_min3A [0] : vector<1024x1024xf32> to vector<1024xf32>
    %iota3A = tpu.iota {dimensions = array<i32: 0>} : vector<1024x1024xi32>
    %broadcast_in_dim3A = vector.shape_cast %reduce_min3A_21 : vector<1024xf32> to vector<1x1024xf32>
    %eq3A = vector.broadcast %broadcast_in_dim3A : vector<1x1024xf32> to vector<1024x1024xf32>
    %eq3A_22 = arith.cmpf oeq, %sub3A, %eq3A : vector<1024x1024xf32>
    %jit3A = arith.constant 1073741824 : i32
    %broadcast_in_dim3A_23 = vector.broadcast %jit3A : i32 to vector<1024x1024xi32>
    %select_n3A = arith.select %eq3A_22, %iota3A, %broadcast_in_dim3A_23 : vector<1024x1024xi1>, vector<1024x1024xi32>
    %reduce_min3A_24 = arith.constant dense<2147483647> : vector<1024xi32>
    %reduce_min3A_25 = vector.multi_reduction <minsi>, %select_n3A, %reduce_min3A_24 [0] : vector<1024x1024xi32> to vector<1024xi32>
    %swap3A_26 = arith.constant 0 : index
    %swap3A_27 = arith.constant 0 : index
    %swap3A_28 = arith.constant 0 : index
    %swap3A_29 = vector.load %arg6[%swap3A_26, %swap3A_27, %swap3A_28] : memref<1x1x1024xi32, #tpu.memory_space<vmem>>, vector<1x1x1024xi32>
    %swap3A_30 = vector.shape_cast %swap3A_29 : vector<1x1x1024xi32> to vector<1024xi32>
    %swap3A_31 = vector.shape_cast %reduce_min3A_25 : vector<1024xi32> to vector<1x1x1024xi32>
    tpu.vector_store %arg6[%swap3A_26, %swap3A_27, %swap3A_28], %swap3A_31 {strides = array<i32>} : memref<1x1x1024xi32, #tpu.memory_space<vmem>>, vector<1x1x1024xi32>,
    %eq3A_32 = arith.constant 0 : i32
    %eq3A_33 = arith.cmpi eq, %arg0, %eq3A_32 : i32
    %convert_element_type3A = arith.extui %eq3A_33 : i1 to i32
    %cond3A = arith.constant 0 : i32
    %cond3A_34 = arith.cmpi ne, %convert_element_type3A, %cond3A : i32
    scf.if %cond3A_34 {
      %reduce_sum3A = vector.shape_cast %reduce_min3A_21 : vector<1024xf32> to vector<1x1024xf32>
      %reduce_sum3A_44 = arith.constant dense<0.000000e+00> : vector<1xf32>
      %reduce_sum3A_45 = vector.multi_reduction <add>, %reduce_sum3A, %reduce_sum3A_44 [1] : vector<1x1024xf32> to vector<1xf32>
      %reduce_sum3A_46 = vector.shape_cast %reduce_sum3A_45 : vector<1xf32> to vector<1x1xf32>
      %reduce_sum3A_47 = vector.extract %reduce_sum3A_46[0, 0] : f32 from vector<1x1xf32>
      %swap3A_48 = arith.constant 0 : index
      %swap3A_49 = arith.constant 0 : index
      %swap3A_50 = memref.load %arg5[%swap3A_48, %swap3A_49] : memref<1x1xf32, #tpu.memory_space<smem>>
      memref.store %reduce_sum3A_47, %arg5[%swap3A_48, %swap3A_49] : memref<1x1xf32, #tpu.memory_space<smem>>
    } else {
    }
    %gt3A = arith.constant 0 : i32
    %gt3A_35 = arith.cmpi sgt, %arg0, %gt3A : i32
    %convert_element_type3A_36 = arith.extui %gt3A_35 : i1 to i32
    %cond3A_37 = arith.constant 0 : i32
    %cond3A_38 = arith.cmpi ne, %convert_element_type3A_36, %cond3A_37 : i32
    scf.if %cond3A_38 {
      %get3A_44 = arith.constant 0 : index
      %get3A_45 = arith.constant 0 : index
      %get3A_46 = memref.load %arg5[%get3A_44, %get3A_45] : memref<1x1xf32, #tpu.memory_space<smem>>
      %reduce_sum3A = vector.shape_cast %reduce_min3A_21 : vector<1024xf32> to vector<1x1024xf32>
      %reduce_sum3A_47 = arith.constant dense<0.000000e+00> : vector<1xf32>
      %reduce_sum3A_48 = vector.multi_reduction <add>, %reduce_sum3A, %reduce_sum3A_47 [1] : vector<1x1024xf32> to vector<1xf32>
      %reduce_sum3A_49 = vector.shape_cast %reduce_sum3A_48 : vector<1xf32> to vector<1x1xf32>
      %reduce_sum3A_50 = vector.extract %reduce_sum3A_49[0, 0] : f32 from vector<1x1xf32>
      %add3A_51 = arith.addf %get3A_46, %reduce_sum3A_50 : f32
      %swap3A_52 = arith.constant 0 : index
      %swap3A_53 = arith.constant 0 : index
      %swap3A_54 = memref.load %arg5[%swap3A_52, %swap3A_53] : memref<1x1xf32, #tpu.memory_space<smem>>
      memref.store %add3A_51, %arg5[%swap3A_52, %swap3A_53] : memref<1x1xf32, #tpu.memory_space<smem>>
    } else {
    }
    %eq3A_39 = arith.constant 15 : i32
    %eq3A_40 = arith.cmpi eq, %arg0, %eq3A_39 : i32
    %convert_element_type3A_41 = arith.extui %eq3A_40 : i1 to i32
    %cond3A_42 = arith.constant 0 : i32
    %cond3A_43 = arith.cmpi ne, %convert_element_type3A_41, %cond3A_42 : i32
    scf.if %cond3A_43 {
      %get3A_44 = arith.constant 0 : index
      %get3A_45 = arith.constant 0 : index
      %get3A_46 = memref.load %arg5[%get3A_44, %get3A_45] : memref<1x1xf32, #tpu.memory_space<smem>>
      %mul3A_47 = arith.constant 5.96046448E-8 : f32
      %mul3A_48 = arith.mulf %get3A_46, %mul3A_47 : f32
      %swap3A_49 = arith.constant 0 : index
      %swap3A_50 = arith.constant 0 : index
      %swap3A_51 = memref.load %arg5[%swap3A_49, %swap3A_50] : memref<1x1xf32, #tpu.memory_space<smem>>
      memref.store %mul3A_48, %arg5[%swap3A_49, %swap3A_50] : memref<1x1xf32, #tpu.memory_space<smem>>
    } else {
    }
    return
  }
  func.func @transform_0(%arg0: i32) -> (i32, i32) {
    %c0_i32 = arith.constant 0 : i32
    %c0_i32_0 = arith.constant 0 : i32
    return %arg0, %c0_i32 : i32, i32
  }
  func.func @transform_1(%arg0: i32) -> (i32, i32) {
    %c0_i32 = arith.constant 0 : i32
    %c0_i32_0 = arith.constant 0 : i32
    %c0_i32_1 = arith.constant 0 : i32
    return %c0_i32, %c0_i32_0 : i32, i32
  }
  func.func @transform_2(%arg0: i32) -> (i32, i32) {
    %c0_i32 = arith.constant 0 : i32
    %c0_i32_0 = arith.constant 0 : i32
    return %c0_i32, %arg0 : i32, i32
  }
  func.func @transform_3(%arg0: i32) -> (i32, i32) {
    %c0_i32 = arith.constant 0 : i32
    %c0_i32_0 = arith.constant 0 : i32
    %c0_i32_1 = arith.constant 0 : i32
    return %c0_i32, %c0_i32_0 : i32, i32
  }
  func.func @transform_4(%arg0: i32) -> (i32, i32) {
    %c0_i32 = arith.constant 0 : i32
    %c0_i32_0 = arith.constant 0 : i32
    %c0_i32_1 = arith.constant 0 : i32
    return %c0_i32, %c0_i32_0 : i32, i32
  }
  func.func @transform_5(%arg0: i32) -> (i32, i32, i32) {
    %c0_i32 = arith.constant 0 : i32
    %c0_i32_0 = arith.constant 0 : i32
    %c0_i32_1 = arith.constant 0 : i32
    return %arg0, %c0_i32, %c0_i32_0 : i32, i32, i32
  }
}

module attributes {stable_mosaic.version = 14 : i64} {
  func.func @_tc2_body(%arg0: i32, %arg1: memref<1x1x1024xi32, #tpu.memory_space<vmem>>, %arg2: memref<1024x1024xf32, #tpu.memory_space<vmem>>, %arg3: memref<1x1xf32, #tpu.memory_space<smem>>, %arg4: memref<1024xf32, #tpu.memory_space<vmem>>) attributes {dimension_semantics = [#tpu.dimension_semantics<arbitrary>], iteration_bounds = array<i64: 16>, scalar_prefetch = 0 : i64, scratch_operands = 1 : i64, tpu.core_type = #tpu.core_type<tc>, window_params = [{transform_indices = @transform_0, window_bounds = array<i64: 1, 1, 1024>}, {transform_indices = @transform_1, window_bounds = array<i64: 1024, 1024>}, {transform_indices = @transform_2, window_bounds = array<i64: 1, 1>}]} {
    %get3A = arith.constant 0 : index
    %get3A_0 = arith.constant 0 : index
    %get3A_1 = arith.constant 0 : index
    %get3A_2 = vector.load %arg1[%get3A, %get3A_0, %get3A_1] : memref<1x1x1024xi32, #tpu.memory_space<vmem>>, vector<1x1x1024xi32>
    %get3A_3 = vector.shape_cast %get3A_2 : vector<1x1x1024xi32> to vector<1024xi32>
    %iota3A = tpu.iota {dimensions = array<i32: 1>} : vector<1024x1024xi32>
    %broadcast_in_dim3A = vector.shape_cast %get3A_3 : vector<1024xi32> to vector<1024x1xi32>
    %eq3A = vector.broadcast %broadcast_in_dim3A : vector<1024x1xi32> to vector<1024x1024xi32>
    %eq3A_4 = arith.cmpi eq, %iota3A, %eq3A : vector<1024x1024xi32>
    %convert_element_type3A = arith.extui %eq3A_4 : vector<1024x1024xi1> to vector<1024x1024xi32>
    %convert_element_type3A_5 = arith.sitofp %convert_element_type3A : vector<1024x1024xi32> to vector<1024x1024xf32>
    %swap3A = arith.constant 0 : index
    %swap3A_6 = arith.constant 0 : index
    %swap3A_7 = vector.load %arg2[%swap3A, %swap3A_6] : memref<1024x1024xf32, #tpu.memory_space<vmem>>, vector<1024x1024xf32>
    tpu.vector_store %arg2[%swap3A, %swap3A_6], %convert_element_type3A_5 {strides = array<i32>} : memref<1024x1024xf32, #tpu.memory_space<vmem>>, vector<1024x1024xf32>,
    %reduce_sum3A = arith.constant dense<0.000000e+00> : vector<1024xf32>
    %reduce_sum3A_8 = vector.multi_reduction <add>, %convert_element_type3A_5, %reduce_sum3A [0] : vector<1024x1024xf32> to vector<1024xf32>
    %eq3A_9 = arith.constant 0 : i32
    %eq3A_10 = arith.cmpi eq, %arg0, %eq3A_9 : i32
    %convert_element_type3A_11 = arith.extui %eq3A_10 : i1 to i32
    %cond3A = arith.constant 0 : i32
    %cond3A_12 = arith.cmpi ne, %convert_element_type3A_11, %cond3A : i32
    scf.if %cond3A_12 {
      %swap3A_22 = arith.constant 0 : index
      %swap3A_23 = vector.load %arg4[%swap3A_22] : memref<1024xf32, #tpu.memory_space<vmem>>, vector<1024xf32>
      tpu.vector_store %arg4[%swap3A_22], %reduce_sum3A_8 {strides = array<i32>} : memref<1024xf32, #tpu.memory_space<vmem>>, vector<1024xf32>,
    } else {
    }
    %gt3A = arith.constant 0 : i32
    %gt3A_13 = arith.cmpi sgt, %arg0, %gt3A : i32
    %convert_element_type3A_14 = arith.extui %gt3A_13 : i1 to i32
    %cond3A_15 = arith.constant 0 : i32
    %cond3A_16 = arith.cmpi ne, %convert_element_type3A_14, %cond3A_15 : i32
    scf.if %cond3A_16 {
      %get3A_22 = arith.constant 0 : index
      %get3A_23 = vector.load %arg4[%get3A_22] : memref<1024xf32, #tpu.memory_space<vmem>>, vector<1024xf32>
      %add3A = arith.addf %get3A_23, %reduce_sum3A_8 : vector<1024xf32>
      %swap3A_24 = arith.constant 0 : index
      %swap3A_25 = vector.load %arg4[%swap3A_24] : memref<1024xf32, #tpu.memory_space<vmem>>, vector<1024xf32>
      tpu.vector_store %arg4[%swap3A_24], %add3A {strides = array<i32>} : memref<1024xf32, #tpu.memory_space<vmem>>, vector<1024xf32>,
    } else {
    }
    %eq3A_17 = arith.constant 15 : i32
    %eq3A_18 = arith.cmpi eq, %arg0, %eq3A_17 : i32
    %convert_element_type3A_19 = arith.extui %eq3A_18 : i1 to i32
    %cond3A_20 = arith.constant 0 : i32
    %cond3A_21 = arith.cmpi ne, %convert_element_type3A_19, %cond3A_20 : i32
    scf.if %cond3A_21 {
      %get3A_22 = arith.constant 0 : index
      %get3A_23 = vector.load %arg4[%get3A_22] : memref<1024xf32, #tpu.memory_space<vmem>>, vector<1024xf32>
      %mul3A = arith.constant 6.10351563E-5 : f32
      %mul3A_24 = vector.broadcast %mul3A : f32 to vector<1024xf32>
      %mul3A_25 = arith.mulf %get3A_23, %mul3A_24 : vector<1024xf32>
      %add3A = arith.constant 1.000000e-10 : f32
      %add3A_26 = vector.broadcast %add3A : f32 to vector<1024xf32>
      %add3A_27 = arith.addf %mul3A_25, %add3A_26 : vector<1024xf32>
      %log3A = math.log %add3A_27 : vector<1024xf32>
      %mul3A_28 = arith.mulf %mul3A_25, %log3A : vector<1024xf32>
      %reduce_sum3A_29 = vector.shape_cast %mul3A_28 : vector<1024xf32> to vector<1x1024xf32>
      %reduce_sum3A_30 = arith.constant dense<0.000000e+00> : vector<1xf32>
      %reduce_sum3A_31 = vector.multi_reduction <add>, %reduce_sum3A_29, %reduce_sum3A_30 [1] : vector<1x1024xf32> to vector<1xf32>
      %reduce_sum3A_32 = vector.shape_cast %reduce_sum3A_31 : vector<1xf32> to vector<1x1xf32>
      %reduce_sum3A_33 = vector.extract %reduce_sum3A_32[0, 0] : f32 from vector<1x1xf32>
      %neg3A = arith.constant 0.000000e+00 : f32
      %neg3A_34 = arith.subf %neg3A, %reduce_sum3A_33 : f32
      %exp3A = math.exp %neg3A_34 : f32
      %swap3A_35 = arith.constant 0 : index
      %swap3A_36 = arith.constant 0 : index
      %swap3A_37 = memref.load %arg3[%swap3A_35, %swap3A_36] : memref<1x1xf32, #tpu.memory_space<smem>>
      memref.store %exp3A, %arg3[%swap3A_35, %swap3A_36] : memref<1x1xf32, #tpu.memory_space<smem>>
    } else {
    }
    return
  }
  func.func @transform_0(%arg0: i32) -> (i32, i32, i32) {
    %c0_i32 = arith.constant 0 : i32
    %c0_i32_0 = arith.constant 0 : i32
    %c0_i32_1 = arith.constant 0 : i32
    return %arg0, %c0_i32, %c0_i32_0 : i32, i32, i32
  }
  func.func @transform_1(%arg0: i32) -> (i32, i32) {
    %c0_i32 = arith.constant 0 : i32
    %c0_i32_0 = arith.constant 0 : i32
    return %arg0, %c0_i32 : i32, i32
  }
  func.func @transform_2(%arg0: i32) -> (i32, i32) {
    %c0_i32 = arith.constant 0 : i32
    %c0_i32_0 = arith.constant 0 : i32
    %c0_i32_1 = arith.constant 0 : i32
    return %c0_i32, %c0_i32_0 : i32, i32
  }
}

</mosaic_0001>

<sc_bundles>
// kernel: kernel.5.cloned.1.call-start
scs
__scs_entry_jumppad:
0x0: {  	(pc) =	sbr.rel $0x88, $3  }
0x1: {  	(tag) =	ssettag $0x0;
	lr =	simm.s32 $0x1  }
0x2: {  	[smem:$0x3F9F] =	sst lr;
	_ =	strace $0xD0000000  }
0x3: {  	_ = 	snop  }
0x4: {  	_ = 	snop  }
0x5: {  	_ = 	snop  }
0x6: {  	_ = 	snop  }
0x7: {  	_ = 	snop  }
__scs_overlays_trampoline_lowered:
0x8: {  	[smem:$0x3FAE] =	sst s0  }
0x9: {  	[smem:$0x3FAF] =	sst s1  }
0xa: {  	[smem:$0x3FB0] =	sst s2  }
0xb: {  	[smem:$0x3FB1] =	sst s3  }
0xc: {  	[smem:$0x3FB2] =	sst s4  }
0xd: {  	[smem:$0x3FB3] =	sst s5  }
0xe: {  	[smem:$0x3FB4] =	sst s6  }
0xf: {  	[smem:$0x3FB5] =	sst s7  }
0x10: {  	[smem:$0x3FB6] =	sst s8  }
0x11: {  	[smem:$0x3FB7] =	sst s9;
	s0 =	simm.s32 @!p0 $0x0  }
0x12: {  	s1 =	sld [smem:$0x3F9D];
	s0 =	simm.s32 @p0 $0x1  }
0x13: {  	[smem:$0x3FB8] =	sst s0;
	s0 =	simm.s32 @!p1 $0x0  }
0x14: {  	s2 =	sld [smem:$0x3F9C];
	s0 =	simm.s32 @p1 $0x1  }
0x15: {  	[smem:$0x3FB9] =	sst s0;
	s0 =	simm.s32 @!p2 $0x0  }
0x16: {  	s3 =	sld [smem:$0x3FDB];
	s0 =	simm.s32 @p2 $0x1  }
0x17: {  	s4 =	simm.s32 $0x1BF5;
	[smem:$0x3FBB] =	sst s0  }
0x18: {  	s0 =	sld [smem:$0x3F9E];
	_ =	swait.ge [sflag:s4], $0x0  }
0x19: {  	s7 =	sld [smem:$0x3F9F]  }
0x1a: {  	s8 =	sadd.s32 $0xFFFFE003, lr  }
0x1b: {  	s9 =	sadd.s32 $0xFFFFFEF7, lr;
	s5 =	simm.s32 $0xFFFFFFFF;
	p2 =	slt.u32 s8, $0xFFFFF086  }
0x1c: {  	p1 =	slt.u32 s9, $0xF7A;
	s5 =	simm.s32 @!p2 $0x0  }
0x1d: {  	s5 =	simm.s32 @p1 $0x1;
	p0 =	seq.s32 s7, s2  }
0x1e: {  	s7 =	smul.u32 @!p0 $0xF7A, s2;
	p2 =	seq.s32 @!p0 s5, $0x0  }
0x1f: {  	s9 =	smul.u32 $0xF7A, s1;
	s8 =	simm.s32 @!p0 $0x1BF5;
	p2 =	por !p2, p0  }
0x20: {  	[sflag:s8] =	ssyncset.s32 @!p0 $0xFFFFF086;
	s6 =	sadd.s32 @!p0 s3, s7;
	s7 =	simm.s32 @!p0 $0x108  }
0x21: {  	s3 =	sadd.s32 s3, s9;
	s6 =	sadd.s32 @!p0 $0x88, s6;
	s7 =	simm.s32 @p2 $0x1082  }
0x22: {  	[simem:s7], [sflag:s8] =	dma.local @!p0 [hbm:s6], $0xF7A  }
0x23: {  	s9 =	sor.u32 $0xD0000000, s2;
	s6 =	simm.s32 $0x108;
	_ =	swait.ge @!p0 [sflag:s8], $0x0  }
0x24: {  	s3 =	sadd.s32 $0x88, s3;
	s6 =	simm.s32 @!p1 $0x1082;
	[sflag:s4] =	ssyncset.s32 $0xFFFFF086  }
0x25: {  	[simem:s6], [sflag:s4] =	dma.local [hbm:s3], $0xF7A  }
0x26: {  	[smem:$0x3F9F] =	sst s1;
	(tag) =	ssettag s2;
	_ =	strace s9  }
0x27: {  	s1 =	sld [smem:$0x3FAF]  }
0x28: {  	s2 =	sld [smem:$0x3FB0]  }
0x29: {  	s4 =	sld [smem:$0x3FB2]  }
0x2a: {  	p0 =	seq.s32 s5, $0x0;
	s5 =	sld [smem:$0x3FB3]  }
0x2b: {  	s6 =	sld [smem:$0x3FB4]  }
0x2c: {  	s7 =	sld [smem:$0x3FB5]  }
0x2d: {  	s3 =	simm.s32 $0x108;
	s8 =	sld [smem:$0x3FB6]  }
0x2e: {  	s3 =	simm.s32 @!p0 $0x1082;
	s9 =	sld [smem:$0x3FB7]  }
0x2f: {  	lr =	sadd.s32 s0, s3;
	s0 =	sld [smem:$0x3FAE]  }
0x30: {  	s3 =	sld [smem:$0x3FB1]  }
0x31: {  	[smem:$0x3FBA] =	sst s10  }
0x32: {  	s10 =	sld [smem:$0x3FB8];
	_ =	sdelay $0x3  }
0x33: {  	p0 =	seq.s32 s10, $0x1;
	s10 =	sld [smem:$0x3FBA];
	_ =	sdelay $0x3  }
0x34: {  	[smem:$0x3FBA] =	sst s10  }
0x35: {  	s10 =	sld [smem:$0x3FB9];
	_ =	sdelay $0x3  }
0x36: {  	p1 =	seq.s32 s10, $0x1;
	s10 =	sld [smem:$0x3FBA];
	_ =	sdelay $0x3  }
0x37: {  	[smem:$0x3FBA] =	sst s10  }
0x38: {  	s10 =	sld [smem:$0x3FBB]  }
0x39: {  	_ = 	snop;
	(pc) =	sbr.ind lr, $3  }
0x3a: {  	_ = 	snop  }
0x3b: {  	_ = 	snop  }
0x3c: {  	p2 =	seq.s32 s10, $0x1;
	s10 =	sld [smem:$0x3FBA]  }
0x3d: {  	_ =	shalt  }
0x3e: {  	_ =	shalt  }
0x3f: {  	_ =	shalt  }
0x40: {  	_ =	shalt  }
0x41: {  	_ =	shalt  }
0x42: {  	_ =	shalt  }
0x43: {  	_ =	shalt  }
0x44: {  	_ =	shalt  }
0x45: {  	_ =	shalt  }
0x46: {  	_ =	shalt  }
0x47: {  	_ =	shalt  }
0x48: {  	_ =	shalt  }
0x49: {  	_ =	shalt  }
0x4a: {  	_ =	shalt  }
0x4b: {  	_ =	shalt  }
0x4c: {  	_ =	shalt  }
0x4d: {  	_ =	shalt  }
0x4e: {  	_ =	shalt  }
0x4f: {  	_ =	shalt  }
0x50: {  	_ =	shalt  }
0x51: {  	_ =	shalt  }
0x52: {  	_ =	shalt  }
0x53: {  	_ =	shalt  }
0x54: {  	_ =	shalt  }
0x55: {  	_ =	shalt  }
0x56: {  	_ =	shalt  }
0x57: {  	_ =	shalt  }
0x58: {  	_ =	shalt  }
0x59: {  	_ =	shalt  }
0x5a: {  	_ =	shalt  }
0x5b: {  	_ =	shalt  }
0x5c: {  	_ =	shalt  }
0x5d: {  	_ =	shalt  }
0x5e: {  	_ =	shalt  }
0x5f: {  	_ =	shalt  }
0x60: {  	_ =	shalt  }
0x61: {  	_ =	shalt  }
0x62: {  	_ =	shalt  }
0x63: {  	_ =	shalt  }
0x64: {  	_ =	shalt  }
0x65: {  	_ =	shalt  }
0x66: {  	_ =	shalt  }
0x67: {  	_ =	shalt  }
0x68: {  	_ =	shalt  }
0x69: {  	_ =	shalt  }
0x6a: {  	_ =	shalt  }
0x6b: {  	_ =	shalt  }
0x6c: {  	_ =	shalt  }
0x6d: {  	_ =	shalt  }
0x6e: {  	_ =	shalt  }
0x6f: {  	_ =	shalt  }
0x70: {  	_ =	shalt  }
0x71: {  	_ =	shalt  }
0x72: {  	_ =	shalt  }
0x73: {  	_ =	shalt  }
0x74: {  	_ =	shalt  }
0x75: {  	_ =	shalt  }
0x76: {  	_ =	shalt  }
0x77: {  	_ =	shalt  }
0x78: {  	_ =	shalt  }
0x79: {  	_ =	shalt  }
0x7a: {  	_ =	shalt  }
0x7b: {  	_ =	shalt  }
0x7c: {  	_ =	shalt  }
0x7d: {  	_ =	shalt  }
0x7e: {  	_ =	shalt  }
0x7f: {  	_ =	shalt  }
0x80: {  	_ =	shalt  }
0x81: {  	_ =	shalt  }
0x82: {  	_ =	shalt  }
0x83: {  	_ =	shalt  }
0x84: {  	_ =	shalt  }
0x85: {  	_ =	shalt  }
0x86: {  	_ =	shalt  }
0x87: {  	_ =	shalt  }
.Lfunc_end0:
.L_simem_size_0:
called_computation_lowered:
.L_overlay_start_0:
0x88: {  	s2 =	sld [smem:$0x3FD9]  }
0x89: {  	s3 =	sld [smem:$0x3FFE];
	_ =	sdelay $0x1  }
0x8a: {  	s1 =	srdreg.scid  }
0x8b: {  	s0 =	sand.u32 $0x1, s1  }
0x8c: {  	s14 =	sshll.u32 s0, $0xA;
	s2 =	sadd.s32 s3, s2  }
0x8d: {  	s2 =	sadd.s32 s2, s14  }
0x8e: {  	[smem:$0x3FC6] =	sst s2  }
0x8f: {  	_ = 	snop  }
0x90: {  	s2 =	sld [smem:$0x3FD0];
	_ =	sdelay $0x2  }
0x91: {  	s4 =	simm.s32 $0xA;
	s5 =	simm.s32 $0x10;
	s15 =	sld [smem:$0x3FC8]  }
0x92: {  	[smem:s5], [sflag:s4] =	dma.local [hbm:s2], $0x1  }
0x93: {  	_ =	swait.eq [sflag:s4], $0x1  }
0x94: {  	[sflag:s4] =	ssyncset.done $0x0  }
0x95: {  	[sflag:s4] =	ssyncadd.s32 $0xFFFFFFFF  }
0x96: {  	s16 =	sld [smem:$0x11];
	(tm) =	ssettm $0x1  }
0x97: {  	s17 =	sld [smem:$0x3FFB];
	_ =	sdelay $0x3  }
0x98: {  	_ =	strace s17  }
0x99: {  	s4 =	sld [smem:$0x3FFC];
	_ =	sdelay $0x3  }
0x9a: {  	_ =	strace s4  }
0x9b: {  	s4 =	sld [smem:$0x3FFD];
	_ =	sdelay $0x3  }
0x9c: {  	_ =	strace s4  }
0x9d: {  	_ =	strace $0x8FFFFFFF  }
0x9e: {  	s18 =	sld [smem:$0x3FDB];
	_ =	sdelay $0x1  }
0x9f: {  	s19 =	simm.s32 $_scs_section_size  }
0xa0: {  	s6 =	simm.s32 $_size__tile_overlayer_lowered;
	s7 =	simm.s32 $_tile_overlayer_lowered  }
0xa1: {  	s22 =	simm.s32 $0x1BFF;
	s21 =	sshll.u32 s7, $0x1;
	s4 =	sadd.s32 s19, s18  }
0xa2: {  	s8 =	simm.s32 $0x0;
	s20 =	sshll.u32 s6, $0x1;
	s6 =	sadd.s32 s21, s4  }
0xa3: {  	[timem:s8], [sflag:s22] =	dma.local [hbm:s6], s20  }
0xa4: {  	_ =	swait.ge [sflag:s22], s20  }
0xa5: {  	s5 =	ssub.s32 $0x0, s20;
	[sflag:s22] =	ssyncset.done $0x0  }
0xa6: {  	[sflag:s22] =	ssyncadd.s32 s5;
	_ =	sdelay $0x1  }
0xa7: {  	s23 =	simm.s32 $0x1B8B  }
0xa8: {  	_ =	swait.ge [sflag:s23], $0x1  }
0xa9: {  	[sflag:s23] =	ssyncset.done $0x0  }
0xaa: {  	s25 =	simm.s32 $0x1B8E;
	s24 =	sld [smem:$0x3FFE];
	[sflag:s23] =	ssyncadd.s32 $0xFFFFFFFF  }
0xab: {  	s26 =	simm.s32 $execute0_lowered;
	[smem:$0x3FD2] =	sst s25  }
0xac: {  	s6 =	sshll.u32 s26, $0x1;
	_ =	strace $0x80000046;
	[dreg:$0x1] =	wrdreg $0xFFFFFFFF  }
0xad: {  	s28 =	simm.s32 $_size_execute0_lowered;
	s4 =	sadd.s32 s4, s6;
	[dreg:$0x0] =	wrdreg $0x0  }
0xae: {  	s6 =	sshll.u32 s28, $0x1;
	[dreg:$0x2] =	wrdreg s4  }
0xaf: {  	[dreg:$0x3] =	wrdreg s6  }
0xb0: {  	[dreg:$0x4] =	wrdreg $0xC0  }
0xb1: {  	_ =	task [dreg:s8], $0x5FFFF  }
0xb2: {  	[dreg:$0x1] =	wrdreg $0xFFFFFFFF  }
0xb3: {  	[dreg:$0x0] =	wrdreg $0x60  }
0xb4: {  	[dreg:$0x2] =	wrdreg s15  }
0xb5: {  	[dreg:$0x3] =	wrdreg s24  }
0xb6: {  	[dreg:$0x4] =	wrdreg s16  }
0xb7: {  	[dreg:$0x5] =	wrdreg $0x9  }
0xb8: {  	_ =	task.clear_ibuf [dreg:s8], $0x6FFFF;
	_ =	strace $0x90000046  }
0xb9: {  	s29 =	simm.s32 $0x9;
	_ =	strace $0x80000048  }
0xba: {  	_ =	swait.ge [sflag:s29], $0x1  }
0xbb: {  	[sflag:s29] =	ssyncadd.s32 $0xFFFFFFFF  }
0xbc: {  	_ =	strace $0x90000048  }
0xbd: {  	_ =	sfence  }
0xbe: {  	s30 =	sld [smem:$0x0];
	_ =	sdelay $0x2  }
0xbf: {  	s31 =	sshll.u32 s1, $0xD;
	s1 =	sshrl.u32 s1, $0x2  }
0xc0: {  	s3 =	sand.u32 $0x4000, s31;
	s1 =	sadd.s32 s1, s30  }
0xc1: {  	s0 =	sor.u32 s3, s0;
	s1 =	sshll.u32 s1, $0x11  }
0xc2: {  	s0 =	sor.u32 s1, s0  }
0xc3: {  	s0 =	sadd.s32 $0x8F2B, s0  }
0xc4: {  	[sflag:s0] =	ssyncadd.remote.s32 $0x1  }
0xc5: {  	_ =	sfence.sel $0xFFFF  }
0xc6: {  	[dreg:$0x0] =	wrdreg $0xFFFFFFFF;
	(pc) =	sbr.abs _section_cstart, $3  }
0xc7: {  	[dreg:$0x1] =	wrdreg $0xFFFFFFFF  }
0xc8: {  	_ =	task.clear_ibuf [dreg:s8], $0x2FFFF;
	_ =	strace $0x9FFFFFFF  }
0xc9: {  	(tm) =	ssettm $0x7FFFFFFF  }
tec
execute0_lowered:
.L_overlay_start_1:
0x0: {  	(tag) =	ssettag $0x1  }
0x1: {  	v0 =	vlaneseq.u32  }
0x2: {  	v1 =	vand.u32 $0x7, v0;
	v2 =	vshrl.u32 v0, $0x3  }
0x3: {  	v2 =	vmul.u32 $0x8, v2;
	v0 =	vor.u32 $0x8, v1  }
0x4: {  	v5 =	vor.u32 $0x18, v1;
	v6 =	vor.u32 $0x20, v1;
	v7 =	vor.u32 $0x28, v1  }
0x5: {  	s0 =	rddreg [dreg:$0x0];
	v8 =	vor.u32 $0x30, v1;
	v9 =	vor.u32 $0x38, v1;
	v10 =	vor.u32 $0x40, v1  }
0x6: {  	s2 =	rddreg [dreg:$0x1];
	v11 =	vor.u32 $0x48, v1;
	v12 =	vor.u32 $0x50, v1;
	v13 =	vor.u32 $0x58, v1  }
0x7: {  	s3 =	srdreg.scid;
	s1 =	stileid.u32;
	v14 =	vor.u32 $0x60, v1;
	v15 =	vor.u32 $0x68, v1;
	v16 =	vor.u32 $0x70, v1  }
0x8: {  	s4 =	rddreg [dreg:$0x2];
	s10 =	simm.s32 $0x9;
	s11 =	simm.s32 $0x80;
	v17 =	vor.u32 $0x78, v1;
	v18 =	vor.u32 $0x80, v1;
	v19 =	vor.u32 $0x88, v1  }
0x9: {  	s12 =	simm.s32 $0x200;
	s13 =	simm.s32 $0x600;
	s14 =	simm.s32 $0x280;
	v20 =	vor.u32 $0x90, v1;
	v21 =	vor.u32 $0x98, v1;
	v22 =	vor.u32 $0xA0, v1  }
0xa: {  	s15 =	simm.s32 $0x4600;
	s16 =	simm.s32 $0x300;
	s17 =	simm.s32 $0x8600;
	v23 =	vor.u32 $0xA8, v1;
	v24 =	vor.u32 $0xB0, v1;
	v25 =	vor.u32 $0xB8, v1  }
0xb: {  	s18 =	simm.s32 $0x380;
	s19 =	simm.s32 $0xC600;
	s20 =	simm.s32 $0x1;
	v26 =	vor.u32 $0xC0, v1;
	v27 =	vor.u32 $0xC8, v1;
	v28 =	vor.u32 $0xD0, v1  }
0xc: {  	s21 =	simm.s32 $0x5;
	s22 =	simm.s32 $0x400;
	s28 =	simm.s32 $0x7;
	v29 =	vor.u32 $0xD8, v1;
	v30 =	vor.u32 $0xE0, v1;
	v31 =	vor.u32 $0xE8, v1  }
0xd: {  	s29 =	simm.s32 $0x500;
	s30 =	simm.s32 $0x4;
	s31 =	simm.s32 $0x8;
	v32 =	vor.u32 $0xF0, v1;
	v33 =	vor.u32 $0xF8, v1;
	v34 =	vor.u32 $0x100, v1  }
0xe: {  	s5 =	sand.u32 $0x1, s3;
	s6 =	sshll.u32 s1, $0x1;
	s3 =	simm.s32 $0x0;
	v35 =	vor.u32 $0x108, v1;
	v36 =	vor.u32 $0x110, v1;
	v37 =	vor.u32 $0x118, v1  }
0xf: {  	s6 =	sor.u32 s5, s6;
	[smem:$0x7FF] =	sst s3;
	s5 =	ssub.s32 $0x2, s5;
	v38 =	vor.u32 $0x120, v1;
	v39 =	vor.u32 $0x128, v1;
	v40 =	vor.u32 $0x130, v1  }
0x10: {  	v41 =	vor.u32 $0x138, v1;
	v42 =	vor.u32 $0x140, v1;
	[tilespmem:$0x1FFE0] =	vst v0;
	v0 =	vor.u32 $0x10, v1;
	s7 =	sshll.u32 s6, $0x6;
	s6 =	sshll.u32 s6, $0xE;
	s25 =	sshrl.u32 s5, $0x1  }
0x11: {  	v43 =	vor.u32 $0x148, v1;
	v44 =	vor.u32 $0x150, v1;
	v45 =	vor.u32 $0x158, v1;
	[tilespmem:$0x1FFF0] =	vst v0;
	s2 =	sadd.s32 s2, s7;
	s4 =	sadd.s32 s4, s6;
	s9 =	ssub.s32 s5, s25  }
0x12: {  	v46 =	vor.u32 $0x160, v1;
	v47 =	vor.u32 $0x168, v1;
	v48 =	vor.u32 $0x170, v1;
	s25 =	simm.s32 $0x480;
	_ =	strace $0x80000047;
	[dreg:$0x4] =	wrdreg s2  }
0x13: {  	v49 =	vor.u32 $0x178, v1;
	v50 =	vor.u32 $0x180, v1;
	v51 =	vor.u32 $0x188, v1;
	s23 =	sadd.s32 $0x800, s4;
	s24 =	sadd.s32 $0x1000, s4;
	s26 =	sadd.s32 $0x1800, s4  }
0x14: {  	v52 =	vor.u32 $0x190, v1;
	v53 =	vor.u32 $0x198, v1;
	v54 =	vor.u32 $0x1A0, v1;
	s5 =	sadd.s32 $0x2000, s4;
	s6 =	sadd.s32 $0x2800, s4;
	[dreg:$0x5] =	wrdreg s23  }
0x15: {  	v55 =	vor.u32 $0x1A8, v1;
	v56 =	vor.u32 $0x1B0, v1;
	v57 =	vor.u32 $0x1B8, v1;
	s7 =	sadd.s32 $0x3000, s4;
	s8 =	sadd.s32 $0x3800, s4;
	[dreg:$0x6] =	wrdreg s24  }
0x16: {  	v58 =	vor.u32 $0x1C0, v1;
	v59 =	vor.u32 $0x1C8, v1;
	v60 =	vor.u32 $0x1D0, v1;
	s9 =	smax.u32 s9, $0x1;
	s2 =	simm.s32 $0x580;
	[dreg:$0x7] =	wrdreg s26  }
0x17: {  	v61 =	vor.u32 $0x1D8, v1;
	v62 =	vor.u32 $0x1E0, v1;
	v63 =	vor.u32 $0x1E8, v1;
	s23 =	simm.s32 $0x2;
	s24 =	simm.s32 $0x6;
	s26 =	simm.s32 $0x3  }
.LBB2_1:
0x18: {  	s1 =	rddreg [dreg:$0x4]  }
0x19: {  	[tilespmem:s3], [sflag:$0x9] =	stream.linear.gather [hbm4b:s1+s3], $0x200, $0x38;
	[tilespmem:$0x10600] =	vst v63  }
0x1a: {  	_ =	swait.ge [sflag:s10], $0x200  }
0x1b: {  	[sflag:s10] =	ssyncset.done $0x0  }
0x1c: {  	[sflag:s10] =	ssyncadd.s32 $0xFFFFFE00  }
0x1d: {  	v0 =	vld.idx.msk [tilespmem:v1+s3+$0x0], $0xffff;
	_ =	sdelay $0x4  }
0x1e: {  	v3 =	vshll.u32 v0, $0x1  }
0x1f: {  	v0 =	vand.u32 $0x7, v0;
	v3 =	vand.u32 $0xFFFFFFF0, v3  }
0x20: {  	v0 =	vor.u32 v3, v0  }
0x21: {  	v0 =	vor.u32 v2, v0  }
0x22: {  	[tilespmem:$0x200] =	vst v0;
	v0 =	vld [tilespmem:$0x1FFE0];
	_ =	sdelay $0x7  }
0x23: {  	v0 =	vld.idx.msk [tilespmem:v0+s3+$0x0], $0xffff;
	_ =	sdelay $0x4  }
0x24: {  	v3 =	vshll.u32 v0, $0x1  }
0x25: {  	v0 =	vand.u32 $0x7, v0;
	v3 =	vand.u32 $0xFFFFFFF0, v3  }
0x26: {  	v0 =	vor.u32 v3, v0  }
0x27: {  	v0 =	vor.u32 v2, v0  }
0x28: {  	[tilespmem:$0x210] =	vst v0;
	v0 =	vld [tilespmem:$0x1FFF0];
	_ =	sdelay $0x7  }
0x29: {  	v0 =	vld.idx.msk [tilespmem:v0+s3+$0x0], $0xffff;
	_ =	sdelay $0x4  }
0x2a: {  	v3 =	vshll.u32 v0, $0x1  }
0x2b: {  	v0 =	vand.u32 $0x7, v0;
	v3 =	vand.u32 $0xFFFFFFF0, v3  }
0x2c: {  	v0 =	vor.u32 v3, v0  }
0x2d: {  	v0 =	vor.u32 v2, v0  }
0x2e: {  	[tilespmem:$0x220] =	vst v0  }
0x2f: {  	v0 =	vld.idx.msk [tilespmem:v5+s3+$0x0], $0xffff;
	_ =	sdelay $0x4  }
0x30: {  	v3 =	vshll.u32 v0, $0x1  }
0x31: {  	v0 =	vand.u32 $0x7, v0;
	v3 =	vand.u32 $0xFFFFFFF0, v3  }
0x32: {  	v0 =	vor.u32 v3, v0  }
0x33: {  	v0 =	vor.u32 v2, v0  }
0x34: {  	[tilespmem:$0x230] =	vst v0  }
0x35: {  	v0 =	vld.idx.msk [tilespmem:v6+s3+$0x0], $0xffff;
	_ =	sdelay $0x4  }
0x36: {  	v3 =	vshll.u32 v0, $0x1  }
0x37: {  	v0 =	vand.u32 $0x7, v0;
	v3 =	vand.u32 $0xFFFFFFF0, v3  }
0x38: {  	v0 =	vor.u32 v3, v0  }
0x39: {  	v0 =	vor.u32 v2, v0  }
0x3a: {  	[tilespmem:$0x240] =	vst v0  }
0x3b: {  	v0 =	vld.idx.msk [tilespmem:v7+s3+$0x0], $0xffff;
	_ =	sdelay $0x4  }
0x3c: {  	v3 =	vshll.u32 v0, $0x1  }
0x3d: {  	v0 =	vand.u32 $0x7, v0;
	v3 =	vand.u32 $0xFFFFFFF0, v3  }
0x3e: {  	v0 =	vor.u32 v3, v0  }
0x3f: {  	v0 =	vor.u32 v2, v0  }
0x40: {  	[tilespmem:$0x250] =	vst v0  }
0x41: {  	v0 =	vld.idx.msk [tilespmem:v8+s3+$0x0], $0xffff;
	_ =	sdelay $0x4  }
0x42: {  	v3 =	vshll.u32 v0, $0x1  }
0x43: {  	v0 =	vand.u32 $0x7, v0;
	v3 =	vand.u32 $0xFFFFFFF0, v3  }
0x44: {  	v0 =	vor.u32 v3, v0  }
0x45: {  	v0 =	vor.u32 v2, v0  }
0x46: {  	[tilespmem:$0x260] =	vst v0  }
0x47: {  	v0 =	vld.idx.msk [tilespmem:v9+s3+$0x0], $0xffff;
	_ =	sdelay $0x4  }
0x48: {  	v3 =	vshll.u32 v0, $0x1  }
0x49: {  	v0 =	vand.u32 $0x7, v0;
	v3 =	vand.u32 $0xFFFFFFF0, v3  }
0x4a: {  	v0 =	vor.u32 v3, v0  }
0x4b: {  	v0 =	vor.u32 v2, v0  }
0x4c: {  	[tilespmem:$0x270] =	vst v0  }
0x4d: {  	v0 =	vld.idx.msk [tilespmem:v10+s3+$0x0], $0xffff;
	_ =	sdelay $0x4  }
0x4e: {  	v3 =	vshll.u32 v0, $0x1  }
0x4f: {  	v0 =	vand.u32 $0x7, v0;
	v3 =	vand.u32 $0xFFFFFFF0, v3  }
0x50: {  	v0 =	vor.u32 v3, v0  }
0x51: {  	v0 =	vor.u32 v2, v0  }
0x52: {  	[tilespmem:$0x280] =	vst v0  }
0x53: {  	v0 =	vld.idx.msk [tilespmem:v11+s3+$0x0], $0xffff;
	_ =	sdelay $0x4  }
0x54: {  	v3 =	vshll.u32 v0, $0x1  }
0x55: {  	v0 =	vand.u32 $0x7, v0;
	v3 =	vand.u32 $0xFFFFFFF0, v3  }
0x56: {  	v0 =	vor.u32 v3, v0  }
0x57: {  	v0 =	vor.u32 v2, v0  }
0x58: {  	[tilespmem:$0x290] =	vst v0  }
0x59: {  	v0 =	vld.idx.msk [tilespmem:v12+s3+$0x0], $0xffff;
	_ =	sdelay $0x4  }
0x5a: {  	v3 =	vshll.u32 v0, $0x1  }
0x5b: {  	v0 =	vand.u32 $0x7, v0;
	v3 =	vand.u32 $0xFFFFFFF0, v3  }
0x5c: {  	v0 =	vor.u32 v3, v0  }
0x5d: {  	v0 =	vor.u32 v2, v0  }
0x5e: {  	[tilespmem:$0x2A0] =	vst v0  }
0x5f: {  	v0 =	vld.idx.msk [tilespmem:v13+s3+$0x0], $0xffff;
	_ =	sdelay $0x4  }
0x60: {  	v3 =	vshll.u32 v0, $0x1  }
0x61: {  	v0 =	vand.u32 $0x7, v0;
	v3 =	vand.u32 $0xFFFFFFF0, v3  }
0x62: {  	v0 =	vor.u32 v3, v0  }
0x63: {  	v0 =	vor.u32 v2, v0  }
0x64: {  	[tilespmem:$0x2B0] =	vst v0  }
0x65: {  	v0 =	vld.idx.msk [tilespmem:v14+s3+$0x0], $0xffff;
	_ =	sdelay $0x4  }
0x66: {  	v3 =	vshll.u32 v0, $0x1  }
0x67: {  	v0 =	vand.u32 $0x7, v0;
	v3 =	vand.u32 $0xFFFFFFF0, v3  }
0x68: {  	v0 =	vor.u32 v3, v0  }
0x69: {  	v0 =	vor.u32 v2, v0  }
0x6a: {  	[tilespmem:$0x2C0] =	vst v0  }
0x6b: {  	v0 =	vld.idx.msk [tilespmem:v15+s3+$0x0], $0xffff;
	_ =	sdelay $0x4  }
0x6c: {  	v3 =	vshll.u32 v0, $0x1  }
0x6d: {  	v0 =	vand.u32 $0x7, v0;
	v3 =	vand.u32 $0xFFFFFFF0, v3  }
0x6e: {  	v0 =	vor.u32 v3, v0  }
0x6f: {  	v0 =	vor.u32 v2, v0  }
0x70: {  	[tilespmem:$0x2D0] =	vst v0  }
0x71: {  	v0 =	vld.idx.msk [tilespmem:v16+s3+$0x0], $0xffff;
	_ =	sdelay $0x4  }
0x72: {  	v3 =	vshll.u32 v0, $0x1  }
0x73: {  	v0 =	vand.u32 $0x7, v0;
	v3 =	vand.u32 $0xFFFFFFF0, v3  }
0x74: {  	v0 =	vor.u32 v3, v0  }
0x75: {  	v0 =	vor.u32 v2, v0  }
0x76: {  	[tilespmem:$0x2E0] =	vst v0  }
0x77: {  	v0 =	vld.idx.msk [tilespmem:v17+s3+$0x0], $0xffff;
	_ =	sdelay $0x4  }
0x78: {  	v3 =	vshll.u32 v0, $0x1  }
0x79: {  	v0 =	vand.u32 $0x7, v0;
	v3 =	vand.u32 $0xFFFFFFF0, v3  }
0x7a: {  	v0 =	vor.u32 v3, v0  }
0x7b: {  	v0 =	vor.u32 v2, v0  }
0x7c: {  	[tilespmem:$0x2F0] =	vst v0  }
0x7d: {  	v0 =	vld.idx.msk [tilespmem:v18+s3+$0x0], $0xffff;
	_ =	sdelay $0x4  }
0x7e: {  	v3 =	vshll.u32 v0, $0x1  }
0x7f: {  	v0 =	vand.u32 $0x7, v0;
	v3 =	vand.u32 $0xFFFFFFF0, v3  }
0x80: {  	v0 =	vor.u32 v3, v0  }
0x81: {  	v0 =	vor.u32 v2, v0  }
0x82: {  	[tilespmem:$0x300] =	vst v0  }
0x83: {  	v0 =	vld.idx.msk [tilespmem:v19+s3+$0x0], $0xffff;
	_ =	sdelay $0x4  }
0x84: {  	v3 =	vshll.u32 v0, $0x1  }
0x85: {  	v0 =	vand.u32 $0x7, v0;
	v3 =	vand.u32 $0xFFFFFFF0, v3  }
0x86: {  	v0 =	vor.u32 v3, v0  }
0x87: {  	v0 =	vor.u32 v2, v0  }
0x88: {  	[tilespmem:$0x310] =	vst v0  }
0x89: {  	v0 =	vld.idx.msk [tilespmem:v20+s3+$0x0], $0xffff;
	_ =	sdelay $0x4  }
0x8a: {  	v3 =	vshll.u32 v0, $0x1  }
0x8b: {  	v0 =	vand.u32 $0x7, v0;
	v3 =	vand.u32 $0xFFFFFFF0, v3  }
0x8c: {  	v0 =	vor.u32 v3, v0  }
0x8d: {  	v0 =	vor.u32 v2, v0  }
0x8e: {  	[tilespmem:$0x320] =	vst v0  }
0x8f: {  	v0 =	vld.idx.msk [tilespmem:v21+s3+$0x0], $0xffff;
	_ =	sdelay $0x4  }
0x90: {  	v3 =	vshll.u32 v0, $0x1  }
0x91: {  	v0 =	vand.u32 $0x7, v0;
	v3 =	vand.u32 $0xFFFFFFF0, v3  }
0x92: {  	v0 =	vor.u32 v3, v0  }
0x93: {  	v0 =	vor.u32 v2, v0  }
0x94: {  	[tilespmem:$0x330] =	vst v0  }
0x95: {  	v0 =	vld.idx.msk [tilespmem:v22+s3+$0x0], $0xffff;
	_ =	sdelay $0x4  }
0x96: {  	v3 =	vshll.u32 v0, $0x1  }
0x97: {  	v0 =	vand.u32 $0x7, v0;
	v3 =	vand.u32 $0xFFFFFFF0, v3  }
0x98: {  	v0 =	vor.u32 v3, v0  }
0x99: {  	v0 =	vor.u32 v2, v0  }
0x9a: {  	[tilespmem:$0x340] =	vst v0  }
0x9b: {  	v0 =	vld.idx.msk [tilespmem:v23+s3+$0x0], $0xffff;
	_ =	sdelay $0x4  }
0x9c: {  	v3 =	vshll.u32 v0, $0x1  }
0x9d: {  	v0 =	vand.u32 $0x7, v0;
	v3 =	vand.u32 $0xFFFFFFF0, v3  }
0x9e: {  	v0 =	vor.u32 v3, v0  }
0x9f: {  	v0 =	vor.u32 v2, v0  }
0xa0: {  	[tilespmem:$0x350] =	vst v0  }
0xa1: {  	v0 =	vld.idx.msk [tilespmem:v24+s3+$0x0], $0xffff;
	_ =	sdelay $0x4  }
0xa2: {  	v3 =	vshll.u32 v0, $0x1  }
0xa3: {  	v0 =	vand.u32 $0x7, v0;
	v3 =	vand.u32 $0xFFFFFFF0, v3  }
0xa4: {  	v0 =	vor.u32 v3, v0  }
0xa5: {  	v0 =	vor.u32 v2, v0  }
0xa6: {  	[tilespmem:$0x360] =	vst v0  }
0xa7: {  	v0 =	vld.idx.msk [tilespmem:v25+s3+$0x0], $0xffff;
	_ =	sdelay $0x4  }
0xa8: {  	v3 =	vshll.u32 v0, $0x1  }
0xa9: {  	v0 =	vand.u32 $0x7, v0;
	v3 =	vand.u32 $0xFFFFFFF0, v3  }
0xaa: {  	v0 =	vor.u32 v3, v0  }
0xab: {  	v0 =	vor.u32 v2, v0  }
0xac: {  	[tilespmem:$0x370] =	vst v0  }
0xad: {  	v0 =	vld.idx.msk [tilespmem:v26+s3+$0x0], $0xffff;
	_ =	sdelay $0x4  }
0xae: {  	v3 =	vshll.u32 v0, $0x1  }
0xaf: {  	v0 =	vand.u32 $0x7, v0;
	v3 =	vand.u32 $0xFFFFFFF0, v3  }
0xb0: {  	v0 =	vor.u32 v3, v0  }
0xb1: {  	v0 =	vor.u32 v2, v0  }
0xb2: {  	[tilespmem:$0x380] =	vst v0  }
0xb3: {  	v0 =	vld.idx.msk [tilespmem:v27+s3+$0x0], $0xffff;
	_ =	sdelay $0x4  }
0xb4: {  	v3 =	vshll.u32 v0, $0x1  }
0xb5: {  	v0 =	vand.u32 $0x7, v0;
	v3 =	vand.u32 $0xFFFFFFF0, v3  }
0xb6: {  	v0 =	vor.u32 v3, v0  }
0xb7: {  	v0 =	vor.u32 v2, v0  }
0xb8: {  	[tilespmem:$0x390] =	vst v0  }
0xb9: {  	v0 =	vld.idx.msk [tilespmem:v28+s3+$0x0], $0xffff;
	_ =	sdelay $0x4  }
0xba: {  	v3 =	vshll.u32 v0, $0x1  }
0xbb: {  	v0 =	vand.u32 $0x7, v0;
	v3 =	vand.u32 $0xFFFFFFF0, v3  }
0xbc: {  	v0 =	vor.u32 v3, v0  }
0xbd: {  	v0 =	vor.u32 v2, v0  }
0xbe: {  	[tilespmem:$0x3A0] =	vst v0  }
0xbf: {  	v0 =	vld.idx.msk [tilespmem:v29+s3+$0x0], $0xffff;
	_ =	sdelay $0x4  }
0xc0: {  	v3 =	vshll.u32 v0, $0x1  }
0xc1: {  	v0 =	vand.u32 $0x7, v0;
	v3 =	vand.u32 $0xFFFFFFF0, v3  }
0xc2: {  	v0 =	vor.u32 v3, v0  }
0xc3: {  	v0 =	vor.u32 v2, v0  }
0xc4: {  	[tilespmem:$0x3B0] =	vst v0  }
0xc5: {  	v0 =	vld.idx.msk [tilespmem:v30+s3+$0x0], $0xffff;
	_ =	sdelay $0x4  }
0xc6: {  	v3 =	vshll.u32 v0, $0x1  }
0xc7: {  	v0 =	vand.u32 $0x7, v0;
	v3 =	vand.u32 $0xFFFFFFF0, v3  }
0xc8: {  	v0 =	vor.u32 v3, v0  }
0xc9: {  	v0 =	vor.u32 v2, v0  }
0xca: {  	[tilespmem:$0x3C0] =	vst v0  }
0xcb: {  	v0 =	vld.idx.msk [tilespmem:v31+s3+$0x0], $0xffff;
	_ =	sdelay $0x4  }
0xcc: {  	v3 =	vshll.u32 v0, $0x1  }
0xcd: {  	v0 =	vand.u32 $0x7, v0;
	v3 =	vand.u32 $0xFFFFFFF0, v3  }
0xce: {  	v0 =	vor.u32 v3, v0  }
0xcf: {  	v0 =	vor.u32 v2, v0  }
0xd0: {  	[tilespmem:$0x3D0] =	vst v0  }
0xd1: {  	v0 =	vld.idx.msk [tilespmem:v32+s3+$0x0], $0xffff;
	_ =	sdelay $0x4  }
0xd2: {  	v3 =	vshll.u32 v0, $0x1  }
0xd3: {  	v0 =	vand.u32 $0x7, v0;
	v3 =	vand.u32 $0xFFFFFFF0, v3  }
0xd4: {  	v0 =	vor.u32 v3, v0  }
0xd5: {  	v0 =	vor.u32 v2, v0  }
0xd6: {  	[tilespmem:$0x3E0] =	vst v0  }
0xd7: {  	v0 =	vld.idx.msk [tilespmem:v33+s3+$0x0], $0xffff;
	_ =	sdelay $0x4  }
0xd8: {  	v3 =	vshll.u32 v0, $0x1  }
0xd9: {  	v0 =	vand.u32 $0x7, v0;
	v3 =	vand.u32 $0xFFFFFFF0, v3  }
0xda: {  	v0 =	vor.u32 v3, v0  }
0xdb: {  	v0 =	vor.u32 v2, v0  }
0xdc: {  	[tilespmem:$0x3F0] =	vst v0  }
0xdd: {  	v0 =	vld.idx.msk [tilespmem:v34+s3+$0x0], $0xffff;
	_ =	sdelay $0x4  }
0xde: {  	v3 =	vshll.u32 v0, $0x1  }
0xdf: {  	v0 =	vand.u32 $0x7, v0;
	v3 =	vand.u32 $0xFFFFFFF0, v3  }
0xe0: {  	v0 =	vor.u32 v3, v0  }
0xe1: {  	v0 =	vor.u32 v2, v0  }
0xe2: {  	[tilespmem:$0x400] =	vst v0  }
0xe3: {  	v0 =	vld.idx.msk [tilespmem:v35+s3+$0x0], $0xffff;
	_ =	sdelay $0x4  }
0xe4: {  	v3 =	vshll.u32 v0, $0x1  }
0xe5: {  	v0 =	vand.u32 $0x7, v0;
	v3 =	vand.u32 $0xFFFFFFF0, v3  }
0xe6: {  	v0 =	vor.u32 v3, v0  }
0xe7: {  	v0 =	vor.u32 v2, v0  }
0xe8: {  	[tilespmem:$0x410] =	vst v0  }
0xe9: {  	v0 =	vld.idx.msk [tilespmem:v36+s3+$0x0], $0xffff;
	_ =	sdelay $0x4  }
0xea: {  	v3 =	vshll.u32 v0, $0x1  }
0xeb: {  	v0 =	vand.u32 $0x7, v0;
	v3 =	vand.u32 $0xFFFFFFF0, v3  }
0xec: {  	v0 =	vor.u32 v3, v0  }
0xed: {  	v0 =	vor.u32 v2, v0  }
0xee: {  	[tilespmem:$0x420] =	vst v0  }
0xef: {  	v0 =	vld.idx.msk [tilespmem:v37+s3+$0x0], $0xffff;
	_ =	sdelay $0x4  }
0xf0: {  	v3 =	vshll.u32 v0, $0x1  }
0xf1: {  	v0 =	vand.u32 $0x7, v0;
	v3 =	vand.u32 $0xFFFFFFF0, v3  }
0xf2: {  	v0 =	vor.u32 v3, v0  }
0xf3: {  	v0 =	vor.u32 v2, v0  }
0xf4: {  	[tilespmem:$0x430] =	vst v0  }
0xf5: {  	v0 =	vld.idx.msk [tilespmem:v38+s3+$0x0], $0xffff;
	_ =	sdelay $0x4  }
0xf6: {  	v3 =	vshll.u32 v0, $0x1  }
0xf7: {  	v0 =	vand.u32 $0x7, v0;
	v3 =	vand.u32 $0xFFFFFFF0, v3  }
0xf8: {  	v0 =	vor.u32 v3, v0  }
0xf9: {  	v0 =	vor.u32 v2, v0  }
0xfa: {  	[tilespmem:$0x440] =	vst v0  }
0xfb: {  	v0 =	vld.idx.msk [tilespmem:v39+s3+$0x0], $0xffff;
	_ =	sdelay $0x4  }
0xfc: {  	v3 =	vshll.u32 v0, $0x1  }
0xfd: {  	v0 =	vand.u32 $0x7, v0;
	v3 =	vand.u32 $0xFFFFFFF0, v3  }
0xfe: {  	v0 =	vor.u32 v3, v0  }
0xff: {  	v0 =	vor.u32 v2, v0  }
0x100: {  	[tilespmem:$0x450] =	vst v0  }
0x101: {  	v0 =	vld.idx.msk [tilespmem:v40+s3+$0x0], $0xffff;
	_ =	sdelay $0x4  }
0x102: {  	v3 =	vshll.u32 v0, $0x1  }
0x103: {  	v0 =	vand.u32 $0x7, v0;
	v3 =	vand.u32 $0xFFFFFFF0, v3  }
0x104: {  	v0 =	vor.u32 v3, v0  }
0x105: {  	v0 =	vor.u32 v2, v0  }
0x106: {  	[tilespmem:$0x460] =	vst v0  }
0x107: {  	v0 =	vld.idx.msk [tilespmem:v41+s3+$0x0], $0xffff;
	_ =	sdelay $0x4  }
0x108: {  	v3 =	vshll.u32 v0, $0x1  }
0x109: {  	v0 =	vand.u32 $0x7, v0;
	v3 =	vand.u32 $0xFFFFFFF0, v3  }
0x10a: {  	v0 =	vor.u32 v3, v0  }
0x10b: {  	v0 =	vor.u32 v2, v0  }
0x10c: {  	[tilespmem:$0x470] =	vst v0  }
0x10d: {  	v0 =	vld.idx.msk [tilespmem:v42+s3+$0x0], $0xffff;
	_ =	sdelay $0x4  }
0x10e: {  	v3 =	vshll.u32 v0, $0x1  }
0x10f: {  	v0 =	vand.u32 $0x7, v0;
	v3 =	vand.u32 $0xFFFFFFF0, v3  }
0x110: {  	v0 =	vor.u32 v3, v0  }
0x111: {  	v0 =	vor.u32 v2, v0  }
0x112: {  	[tilespmem:$0x480] =	vst v0  }
0x113: {  	v0 =	vld.idx.msk [tilespmem:v43+s3+$0x0], $0xffff;
	_ =	sdelay $0x4  }
0x114: {  	v3 =	vshll.u32 v0, $0x1  }
0x115: {  	v0 =	vand.u32 $0x7, v0;
	v3 =	vand.u32 $0xFFFFFFF0, v3  }
0x116: {  	v0 =	vor.u32 v3, v0  }
0x117: {  	v0 =	vor.u32 v2, v0  }
0x118: {  	[tilespmem:$0x490] =	vst v0  }
0x119: {  	v0 =	vld.idx.msk [tilespmem:v44+s3+$0x0], $0xffff;
	_ =	sdelay $0x4  }
0x11a: {  	v3 =	vshll.u32 v0, $0x1  }
0x11b: {  	v0 =	vand.u32 $0x7, v0;
	v3 =	vand.u32 $0xFFFFFFF0, v3  }
0x11c: {  	v0 =	vor.u32 v3, v0  }
0x11d: {  	v0 =	vor.u32 v2, v0  }
0x11e: {  	[tilespmem:$0x4A0] =	vst v0  }
0x11f: {  	v0 =	vld.idx.msk [tilespmem:v45+s3+$0x0], $0xffff;
	_ =	sdelay $0x4  }
0x120: {  	v3 =	vshll.u32 v0, $0x1  }
0x121: {  	v0 =	vand.u32 $0x7, v0;
	v3 =	vand.u32 $0xFFFFFFF0, v3  }
0x122: {  	v0 =	vor.u32 v3, v0  }
0x123: {  	v0 =	vor.u32 v2, v0  }
0x124: {  	[tilespmem:$0x4B0] =	vst v0  }
0x125: {  	v0 =	vld.idx.msk [tilespmem:v46+s3+$0x0], $0xffff;
	_ =	sdelay $0x4  }
0x126: {  	v3 =	vshll.u32 v0, $0x1  }
0x127: {  	v0 =	vand.u32 $0x7, v0;
	v3 =	vand.u32 $0xFFFFFFF0, v3  }
0x128: {  	v0 =	vor.u32 v3, v0  }
0x129: {  	v0 =	vor.u32 v2, v0  }
0x12a: {  	[tilespmem:$0x4C0] =	vst v0  }
0x12b: {  	v0 =	vld.idx.msk [tilespmem:v47+s3+$0x0], $0xffff;
	_ =	sdelay $0x4  }
0x12c: {  	v3 =	vshll.u32 v0, $0x1  }
0x12d: {  	v0 =	vand.u32 $0x7, v0;
	v3 =	vand.u32 $0xFFFFFFF0, v3  }
0x12e: {  	v0 =	vor.u32 v3, v0  }
0x12f: {  	v0 =	vor.u32 v2, v0  }
0x130: {  	[tilespmem:$0x4D0] =	vst v0  }
0x131: {  	v0 =	vld.idx.msk [tilespmem:v48+s3+$0x0], $0xffff;
	_ =	sdelay $0x4  }
0x132: {  	v3 =	vshll.u32 v0, $0x1  }
0x133: {  	v0 =	vand.u32 $0x7, v0;
	v3 =	vand.u32 $0xFFFFFFF0, v3  }
0x134: {  	v0 =	vor.u32 v3, v0  }
0x135: {  	v0 =	vor.u32 v2, v0  }
0x136: {  	[tilespmem:$0x4E0] =	vst v0  }
0x137: {  	v0 =	vld.idx.msk [tilespmem:v49+s3+$0x0], $0xffff;
	_ =	sdelay $0x4  }
0x138: {  	v3 =	vshll.u32 v0, $0x1  }
0x139: {  	v0 =	vand.u32 $0x7, v0;
	v3 =	vand.u32 $0xFFFFFFF0, v3  }
0x13a: {  	v0 =	vor.u32 v3, v0  }
0x13b: {  	v0 =	vor.u32 v2, v0  }
0x13c: {  	[tilespmem:$0x4F0] =	vst v0  }
0x13d: {  	v0 =	vld.idx.msk [tilespmem:v50+s3+$0x0], $0xffff;
	_ =	sdelay $0x4  }
0x13e: {  	v3 =	vshll.u32 v0, $0x1  }
0x13f: {  	v0 =	vand.u32 $0x7, v0;
	v3 =	vand.u32 $0xFFFFFFF0, v3  }
0x140: {  	v0 =	vor.u32 v3, v0  }
0x141: {  	v0 =	vor.u32 v2, v0  }
0x142: {  	[tilespmem:$0x500] =	vst v0  }
0x143: {  	v0 =	vld.idx.msk [tilespmem:v51+s3+$0x0], $0xffff;
	_ =	sdelay $0x4  }
0x144: {  	v3 =	vshll.u32 v0, $0x1  }
0x145: {  	v0 =	vand.u32 $0x7, v0;
	v3 =	vand.u32 $0xFFFFFFF0, v3  }
0x146: {  	v0 =	vor.u32 v3, v0  }
0x147: {  	v0 =	vor.u32 v2, v0  }
0x148: {  	[tilespmem:$0x510] =	vst v0  }
0x149: {  	v0 =	vld.idx.msk [tilespmem:v52+s3+$0x0], $0xffff;
	_ =	sdelay $0x4  }
0x14a: {  	v3 =	vshll.u32 v0, $0x1  }
0x14b: {  	v0 =	vand.u32 $0x7, v0;
	v3 =	vand.u32 $0xFFFFFFF0, v3  }
0x14c: {  	v0 =	vor.u32 v3, v0  }
0x14d: {  	v0 =	vor.u32 v2, v0  }
0x14e: {  	[tilespmem:$0x520] =	vst v0  }
0x14f: {  	v0 =	vld.idx.msk [tilespmem:v53+s3+$0x0], $0xffff;
	_ =	sdelay $0x4  }
0x150: {  	v3 =	vshll.u32 v0, $0x1  }
0x151: {  	v0 =	vand.u32 $0x7, v0;
	v3 =	vand.u32 $0xFFFFFFF0, v3  }
0x152: {  	v0 =	vor.u32 v3, v0  }
0x153: {  	v0 =	vor.u32 v2, v0  }
0x154: {  	[tilespmem:$0x530] =	vst v0  }
0x155: {  	v0 =	vld.idx.msk [tilespmem:v54+s3+$0x0], $0xffff;
	_ =	sdelay $0x4  }
0x156: {  	v3 =	vshll.u32 v0, $0x1  }
0x157: {  	v0 =	vand.u32 $0x7, v0;
	v3 =	vand.u32 $0xFFFFFFF0, v3  }
0x158: {  	v0 =	vor.u32 v3, v0  }
0x159: {  	v0 =	vor.u32 v2, v0  }
0x15a: {  	[tilespmem:$0x540] =	vst v0  }
0x15b: {  	v0 =	vld.idx.msk [tilespmem:v55+s3+$0x0], $0xffff;
	_ =	sdelay $0x4  }
0x15c: {  	v3 =	vshll.u32 v0, $0x1  }
0x15d: {  	v0 =	vand.u32 $0x7, v0;
	v3 =	vand.u32 $0xFFFFFFF0, v3  }
0x15e: {  	v0 =	vor.u32 v3, v0  }
0x15f: {  	v0 =	vor.u32 v2, v0  }
0x160: {  	[tilespmem:$0x550] =	vst v0  }
0x161: {  	v0 =	vld.idx.msk [tilespmem:v56+s3+$0x0], $0xffff;
	_ =	sdelay $0x4  }
0x162: {  	v3 =	vshll.u32 v0, $0x1  }
0x163: {  	v0 =	vand.u32 $0x7, v0;
	v3 =	vand.u32 $0xFFFFFFF0, v3  }
0x164: {  	v0 =	vor.u32 v3, v0  }
0x165: {  	v0 =	vor.u32 v2, v0  }
0x166: {  	[tilespmem:$0x560] =	vst v0  }
0x167: {  	v0 =	vld.idx.msk [tilespmem:v57+s3+$0x0], $0xffff;
	_ =	sdelay $0x4  }
0x168: {  	v3 =	vshll.u32 v0, $0x1  }
0x169: {  	v0 =	vand.u32 $0x7, v0;
	v3 =	vand.u32 $0xFFFFFFF0, v3  }
0x16a: {  	v0 =	vor.u32 v3, v0  }
0x16b: {  	v0 =	vor.u32 v2, v0  }
0x16c: {  	[tilespmem:$0x570] =	vst v0  }
0x16d: {  	v0 =	vld.idx.msk [tilespmem:v58+s3+$0x0], $0xffff;
	_ =	sdelay $0x4  }
0x16e: {  	v3 =	vshll.u32 v0, $0x1  }
0x16f: {  	v0 =	vand.u32 $0x7, v0;
	v3 =	vand.u32 $0xFFFFFFF0, v3  }
0x170: {  	v0 =	vor.u32 v3, v0  }
0x171: {  	v0 =	vor.u32 v2, v0  }
0x172: {  	[tilespmem:$0x580] =	vst v0  }
0x173: {  	v0 =	vld.idx.msk [tilespmem:v59+s3+$0x0], $0xffff;
	_ =	sdelay $0x4  }
0x174: {  	v3 =	vshll.u32 v0, $0x1  }
0x175: {  	v0 =	vand.u32 $0x7, v0;
	v3 =	vand.u32 $0xFFFFFFF0, v3  }
0x176: {  	v0 =	vor.u32 v3, v0  }
0x177: {  	v0 =	vor.u32 v2, v0  }
0x178: {  	[tilespmem:$0x590] =	vst v0  }
0x179: {  	v0 =	vld.idx.msk [tilespmem:v60+s3+$0x0], $0xffff;
	_ =	sdelay $0x4  }
0x17a: {  	v3 =	vshll.u32 v0, $0x1  }
0x17b: {  	v0 =	vand.u32 $0x7, v0;
	v3 =	vand.u32 $0xFFFFFFF0, v3  }
0x17c: {  	v0 =	vor.u32 v3, v0  }
0x17d: {  	v0 =	vor.u32 v2, v0  }
0x17e: {  	[tilespmem:$0x5A0] =	vst v0  }
0x17f: {  	v0 =	vld.idx.msk [tilespmem:v61+s3+$0x0], $0xffff;
	_ =	sdelay $0x4  }
0x180: {  	v3 =	vshll.u32 v0, $0x1  }
0x181: {  	v0 =	vand.u32 $0x7, v0;
	v3 =	vand.u32 $0xFFFFFFF0, v3  }
0x182: {  	v0 =	vor.u32 v3, v0  }
0x183: {  	v0 =	vor.u32 v2, v0  }
0x184: {  	[tilespmem:$0x5B0] =	vst v0  }
0x185: {  	v0 =	vld.idx.msk [tilespmem:v62+s3+$0x0], $0xffff;
	_ =	sdelay $0x4  }
0x186: {  	v3 =	vshll.u32 v0, $0x1  }
0x187: {  	v0 =	vand.u32 $0x7, v0;
	v3 =	vand.u32 $0xFFFFFFF0, v3  }
0x188: {  	v0 =	vor.u32 v3, v0  }
0x189: {  	v0 =	vor.u32 v2, v0  }
0x18a: {  	[tilespmem:$0x5C0] =	vst v0  }
0x18b: {  	v0 =	vld.idx.msk [tilespmem:v63+s3+$0x0], $0xffff;
	_ =	sdelay $0x4  }
0x18c: {  	v4 =	vor.u32 $0x1F0, v1;
	v3 =	vshll.u32 v0, $0x1  }
0x18d: {  	v0 =	vand.u32 $0x7, v0;
	v3 =	vand.u32 $0xFFFFFFF0, v3  }
0x18e: {  	v0 =	vor.u32 v3, v0  }
0x18f: {  	v0 =	vor.u32 v2, v0  }
0x190: {  	[tilespmem:$0x5D0] =	vst v0  }
0x191: {  	v0 =	vld.idx.msk [tilespmem:v4+s3+$0x0], $0xffff;
	_ =	sdelay $0x3  }
0x192: {  	v4 =	vlaneseq.u32  }
0x193: {  	v4 =	vor.u32 $0x1F8, v4;
	v3 =	vshll.u32 v0, $0x1  }
0x194: {  	v0 =	vand.u32 $0x7, v0;
	v3 =	vand.u32 $0xFFFFFFF0, v3  }
0x195: {  	v0 =	vor.u32 v3, v0  }
0x196: {  	v0 =	vor.u32 v2, v0  }
0x197: {  	[tilespmem:$0x5E0] =	vst v0  }
0x198: {  	v0 =	vld.idx.msk [tilespmem:v4+s3+$0x0], $0xffff;
	_ =	sdelay $0x4  }
0x199: {  	v3 =	vshll.u32 v0, $0x1  }
0x19a: {  	v0 =	vand.u32 $0x7, v0;
	v3 =	vand.u32 $0xFFFFFFF0, v3  }
0x19b: {  	v0 =	vor.u32 v3, v0  }
0x19c: {  	v0 =	vor.u32 v2, v0  }
0x19d: {  	[tilespmem:$0x5F0] =	vst v0  }
0x19e: {  	[tilespmem:s13], [sflag:$0x1] =	stream.indirect.gather [hbm4b:s0+s11], $0x80, s12, s11, $0xb8;
	[tilespmem:$0x10600] =	vst v63  }
0x19f: {  	_ = 	snop  }
0x1a0: {  	[tilespmem:s15], [sflag:$0x2] =	stream.indirect.gather [hbm4b:s0+s11], $0x80, s14, s11, $0xb8;
	[tilespmem:$0x10600] =	vst v63  }
0x1a1: {  	_ = 	snop  }
0x1a2: {  	[tilespmem:s17], [sflag:$0x3] =	stream.indirect.gather [hbm4b:s0+s11], $0x80, s16, s11, $0xb8;
	[tilespmem:$0x10600] =	vst v63  }
0x1a3: {  	_ = 	snop  }
0x1a4: {  	[tilespmem:s19], [sflag:$0x4] =	stream.indirect.gather [hbm4b:s0+s11], $0x80, s18, s11, $0xb8;
	[tilespmem:$0x10600] =	vst v63  }
0x1a5: {  	_ =	swait.ge [sflag:s20], $0x4000  }
0x1a6: {  	[sflag:s20] =	ssyncset.done $0x0  }
0x1a7: {  	[sflag:s20] =	ssyncadd.s32 $0xFFFFC000  }
0x1a8: {  	[hbm4b:s4+s3] =	stream.linear.scatter [tilespmem:s13], [sflag:$0x5], $0x4000, $0x38;
	[tilespmem:$0x10600] =	vst v63  }
0x1a9: {  	_ =	swait.ge [sflag:s21], $0x4000  }
0x1aa: {  	[sflag:s21] =	ssyncset.done $0x0  }
0x1ab: {  	[sflag:s21] =	ssyncadd.s32 $0xFFFFC000  }
0x1ac: {  	[tilespmem:s13], [sflag:$0x1] =	stream.indirect.gather [hbm4b:s0+s11], $0x80, s22, s11, $0xb8;
	[tilespmem:$0x10600] =	vst v63  }
0x1ad: {  	_ =	swait.ge [sflag:s23], $0x4000  }
0x1ae: {  	[sflag:s23] =	ssyncset.done $0x0  }
0x1af: {  	s1 =	rddreg [dreg:$0x5];
	[sflag:s23] =	ssyncadd.s32 $0xFFFFC000  }
0x1b0: {  	[hbm4b:s1+s3] =	stream.linear.scatter [tilespmem:s15], [sflag:$0x6], $0x4000, $0x38;
	[tilespmem:$0x10600] =	vst v63  }
0x1b1: {  	_ =	swait.ge [sflag:s24], $0x4000  }
0x1b2: {  	[sflag:s24] =	ssyncset.done $0x0  }
0x1b3: {  	[sflag:s24] =	ssyncadd.s32 $0xFFFFC000  }
0x1b4: {  	[tilespmem:s15], [sflag:$0x2] =	stream.indirect.gather [hbm4b:s0+s11], $0x80, s25, s11, $0xb8;
	[tilespmem:$0x10600] =	vst v63  }
0x1b5: {  	_ =	swait.ge [sflag:s26], $0x4000  }
0x1b6: {  	[sflag:s26] =	ssyncset.done $0x0  }
0x1b7: {  	s1 =	rddreg [dreg:$0x6];
	[sflag:s26] =	ssyncadd.s32 $0xFFFFC000  }
0x1b8: {  	[hbm4b:s1+s3] =	stream.linear.scatter [tilespmem:s17], [sflag:$0x7], $0x4000, $0x38;
	[tilespmem:$0x10600] =	vst v63  }
0x1b9: {  	_ =	swait.ge [sflag:s28], $0x4000  }
0x1ba: {  	[sflag:s28] =	ssyncset.done $0x0  }
0x1bb: {  	[sflag:s28] =	ssyncadd.s32 $0xFFFFC000  }
0x1bc: {  	[tilespmem:s17], [sflag:$0x3] =	stream.indirect.gather [hbm4b:s0+s11], $0x80, s29, s11, $0xb8;
	[tilespmem:$0x10600] =	vst v63  }
0x1bd: {  	_ =	swait.ge [sflag:s30], $0x4000  }
0x1be: {  	[sflag:s30] =	ssyncset.done $0x0  }
0x1bf: {  	s1 =	rddreg [dreg:$0x7];
	[sflag:s30] =	ssyncadd.s32 $0xFFFFC000  }
0x1c0: {  	[hbm4b:s1+s3] =	stream.linear.scatter [tilespmem:s19], [sflag:$0x8], $0x4000, $0x38;
	[tilespmem:$0x10600] =	vst v63  }
0x1c1: {  	_ =	swait.ge [sflag:s31], $0x4000  }
0x1c2: {  	[sflag:s31] =	ssyncset.done $0x0  }
0x1c3: {  	[sflag:s31] =	ssyncadd.s32 $0xFFFFC000  }
0x1c4: {  	[tilespmem:s19], [sflag:$0x4] =	stream.indirect.gather [hbm4b:s0+s11], $0x80, s2, s11, $0xb8;
	[tilespmem:$0x10600] =	vst v63  }
0x1c5: {  	_ =	swait.ge [sflag:s20], $0x4000  }
0x1c6: {  	[sflag:s20] =	ssyncset.done $0x0  }
0x1c7: {  	[sflag:s20] =	ssyncadd.s32 $0xFFFFC000  }
0x1c8: {  	[hbm4b:s5+s3] =	stream.linear.scatter [tilespmem:s13], [sflag:$0x5], $0x4000, $0x38;
	[tilespmem:$0x10600] =	vst v63  }
0x1c9: {  	_ =	swait.ge [sflag:s23], $0x4000  }
0x1ca: {  	[sflag:s23] =	ssyncset.done $0x0  }
0x1cb: {  	[sflag:s23] =	ssyncadd.s32 $0xFFFFC000  }
0x1cc: {  	[hbm4b:s6+s3] =	stream.linear.scatter [tilespmem:s15], [sflag:$0x6], $0x4000, $0x38;
	[tilespmem:$0x10600] =	vst v63  }
0x1cd: {  	_ =	swait.ge [sflag:s26], $0x4000  }
0x1ce: {  	[sflag:s26] =	ssyncset.done $0x0  }
0x1cf: {  	[sflag:s26] =	ssyncadd.s32 $0xFFFFC000  }
0x1d0: {  	[hbm4b:s7+s3] =	stream.linear.scatter [tilespmem:s17], [sflag:$0x7], $0x4000, $0x38;
	[tilespmem:$0x10600] =	vst v63  }
0x1d1: {  	_ =	swait.ge [sflag:s30], $0x4000  }
0x1d2: {  	[sflag:s30] =	ssyncset.done $0x0  }
0x1d3: {  	[sflag:s30] =	ssyncadd.s32 $0xFFFFC000  }
0x1d4: {  	[hbm4b:s8+s3] =	stream.linear.scatter [tilespmem:s19], [sflag:$0x8], $0x4000, $0x38;
	[tilespmem:$0x10600] =	vst v63  }
0x1d5: {  	_ =	swait.ge [sflag:s21], $0x4000  }
0x1d6: {  	[sflag:s21] =	ssyncset.done $0x0  }
0x1d7: {  	[sflag:s21] =	ssyncadd.s32 $0xFFFFC000  }
0x1d8: {  	_ =	swait.ge [sflag:s24], $0x4000  }
0x1d9: {  	[sflag:s24] =	ssyncset.done $0x0  }
0x1da: {  	[sflag:s24] =	ssyncadd.s32 $0xFFFFC000  }
0x1db: {  	p0 =	sne.s32 s9, $0x1;
	_ =	swait.ge [sflag:s28], $0x4000  }
.Ltmp0:
0x1dc: {  	[sflag:s28] =	ssyncset.done $0x0;
	(pc) =	sbr.rel @p0 .LBB2_1-.Ltmp0, $4  }
0x1dd: {  	[sflag:s28] =	ssyncadd.s32 $0xFFFFC000  }
0x1de: {  	_ =	swait.ge [sflag:s31], $0x4000  }
0x1df: {  	[sflag:s31] =	ssyncset.done $0x0  }
0x1e0: {  	s9 =	sadd.s32 $0xFFFFFFFF, s9;
	[sflag:s31] =	ssyncadd.s32 $0xFFFFC000  }
0x1e1: {  	_ =	sfence.sel $0x180000  }
0x1e2: {  	[bflag:$0x0] =	sbarrier.arrive $0xFFFF  }
0x1e3: {  	_ =	strace $0x90000047  }
0x1e4: {  	s0 =	stileid.u32;
	[bflag:$0x2] =	sbarrier.arrive $0xFFFF  }
0x1e5: {  	p0 =	sne.s32 s0, $0x0;
	s0 =	rddreg [dreg:$0x3]  }
0x1e6: {  	s0 =	sadd.s32 @!p0 $0x100000, s0  }
0x1e7: {  	[sflag:s0] =	ssyncadd.tile.s32 @!p0 $0x1;
	_ =	shalt  }
.Lfunc_end2:
_tile_overlayer_lowered:
.L_overlay_start_2:
0x1e8: {  	(tag) =	ssettag $0x2  }
0x1e9: {  	s0 =	rddreg [dreg:$0x0];
	s2 =	stileid.u32  }
0x1ea: {  	s1 =	rddreg [dreg:$0x1];
	p0 =	sne.s32 s2, $0x0  }
0x1eb: {  	s3 =	rddreg [dreg:$0x2];
	[bflag:$0x3] =	sbarrier.arrive $0xFFFF;
	s2 =	simm.s32 @!p0 $0x1C09  }
0x1ec: {  	[timem:s3], [sflag:s2] =	dma.local @!p0 [hbm:s0], s1  }
0x1ed: {  	s0 =	simm.s32 @!p0 $0x9  }
0x1ee: {  	_ =	swait.ge @!p0 [sflag:s0], s1  }
0x1ef: {  	s1 =	ssub.s32 @!p0 $0x0, s1;
	[sflag:s0] =	ssyncset.done @!p0 $0x0  }
0x1f0: {  	[sflag:s0] =	ssyncadd.s32 @!p0 s1  }
0x1f1: {  	[bflag:$0x3] =	sbarrier.arrive $0xFFFF  }
0x1f2: {  	_ =	shalt  }

</sc_bundles>
